<compile_context>
chip_gen: v7x
topology: tpu7x:2x2x1
jax: 0.10.2.dev20260603
libtpu: 0.0.44.dev20260713+nightly
codegen_flags: <defaults>
</compile_context>

<pallas_src>
import jax
import jax.numpy as jnp
from jax.experimental import pallas as pl
from jax.experimental.pallas import tpu as pltpu

B, L, O, DM = 8, 48, 100, 128
OP = 112
LT = 8

_f32 = jnp.float32
_bf16 = jnp.bfloat16


def _main_step(x_ref, dis_ref, w1_ref, b1_ref, w2_ref, b2_ref,
               out_ref, disw_ref, w1s_ref, x16_ref, xt16_ref, tdn_ref):
    @pl.when(pl.program_id(0) == 0)
    def _init():
        dis = dis_ref[...]
        sd = jnp.sqrt(dis)
        dw = jnp.where(dis <= 2.0, sd, 0.0) / jnp.sum(sd, axis=1,
                                                      keepdims=True)
        disw_ref[...] = jnp.zeros((OP, OP), _bf16)
        disw_ref[:O, :O] = dw.astype(_bf16)
        w1 = w1_ref[...]
        w1s_ref[...] = jnp.zeros((2 * OP, DM), _bf16)
        w1s_ref[:O] = w1[:O].astype(_bf16)
        w1s_ref[OP:OP + O] = w1[O:].astype(_bf16)
        x16_ref[...] = jnp.zeros((LT, OP, OP), _bf16)
        xt16_ref[...] = jnp.zeros((LT, OP, OP), _bf16)

    w1s = w1s_ref[...]
    w2 = w2_ref[...].astype(_bf16)
    b1v = b1_ref[0]
    b2v = b2_ref[0]
    disw = disw_ref[...]

    x3 = x_ref[...]
    xts = [x3[t].T for t in range(LT)]
    x16_ref[:, :O, :O] = x3.astype(_bf16)
    for t in range(LT):
        xt16_ref[t, :O, :O] = xts[t].astype(_bf16)

    td = jnp.sum(x3, axis=1) + jnp.sum(jnp.stack(xts), axis=1)
    tdn_ref[:, :O] = td / jnp.sum(td, axis=1, keepdims=True)

    x16_3 = x16_ref[...]
    xt16_3 = xt16_ref[...]
    xall = x16_3.reshape(LT * OP, OP)
    xtall = xt16_3.reshape(LT * OP, OP)
    yall = (jnp.dot(xall, w1s[:OP], preferred_element_type=_f32)
            + jnp.dot(xtall, w1s[OP:], preferred_element_type=_f32)
            + b1v)
    y16 = yall.astype(_bf16)

    ycat = jnp.concatenate([y16[t * OP:(t + 1) * OP] for t in range(LT)],
                           axis=1)
    fall = jnp.dot(disw, ycat, preferred_element_type=_f32)

    tdnv = tdn_ref[...]
    geo_in = []
    sem_in = []
    for t in range(LT):
        sl = slice(t * OP, (t + 1) * OP)
        tdn16 = tdnv[t:t + 1].astype(_bf16)
        deg_w = jnp.where((x16_3[t] > 0) | (xt16_3[t] > 0),
                          jnp.broadcast_to(tdn16, (OP, OP)),
                          _bf16(0))
        bt = jnp.dot(deg_w, y16[sl], preferred_element_type=_f32)
        yt = yall[sl]
        geo_in.append((yt + fall[:, t * DM:(t + 1) * DM]).astype(_bf16))
        sem_in.append((yt + bt).astype(_bf16))

    geo_all = jnp.dot(jnp.concatenate(geo_in, axis=0), w2,
                      preferred_element_type=_f32) + b2v
    sem_all = jnp.dot(jnp.concatenate(sem_in, axis=0), w2,
                      preferred_element_type=_f32) + b2v
    for t in range(LT):
        out_ref[t] = jnp.concatenate([geo_all[t * OP:t * OP + O],
                                      sem_all[t * OP:t * OP + O]], axis=-1)


def kernel(X, dis_matrix, W1, b1, W2, b2):
    Bx, Lx, Ox, _ = X.shape
    n = Bx * Lx
    Xr = X.reshape(n, Ox, Ox)

    out = pl.pallas_call(
        _main_step,
        grid=(n // LT,),
        in_specs=[
            pl.BlockSpec((LT, Ox, Ox), lambda i: (i, 0, 0)),
            pl.BlockSpec((Ox, Ox), lambda i: (0, 0)),
            pl.BlockSpec((2 * Ox, DM), lambda i: (0, 0)),
            pl.BlockSpec((1, DM), lambda i: (0, 0)),
            pl.BlockSpec((DM, DM), lambda i: (0, 0)),
            pl.BlockSpec((1, DM), lambda i: (0, 0)),
        ],
        out_specs=pl.BlockSpec((LT, Ox, 2 * DM), lambda i: (i, 0, 0)),
        out_shape=jax.ShapeDtypeStruct((n, Ox, 2 * DM), _f32),
        scratch_shapes=[pltpu.VMEM((OP, OP), _bf16),
                        pltpu.VMEM((2 * OP, DM), _bf16),
                        pltpu.VMEM((LT, OP, OP), _bf16),
                        pltpu.VMEM((LT, OP, OP), _bf16),
                        pltpu.VMEM((LT, OP), _f32)],
    )(Xr, dis_matrix, W1, b1.reshape(1, DM), W2, b2.reshape(1, DM))
    return out.reshape(Bx, Lx, Ox, 2 * DM)

# --- scband reference (transcript-rebuilt; emitter-appended) ---
"""Pipeline reference for scband-grid-embedding-38062000177905 (READ-ONLY COPY).

The authoritative reference and input builder live on the scoring server;
editing this copy changes nothing except your own understanding.
"""

import jax, jax.numpy as jnp
import numpy as np

B, L, O, DM = 8, 48, 100, 128

def setup_inputs(seed: int = 0) -> dict:
    key = jax.random.key(seed)
    k1, k2, k3, k4 = jax.random.split(key, 4)
    X = jax.random.normal(k1, (B, L, O, O), dtype=jnp.float32)
    # distances in [0, 4) so that the geo_neibor mask (dis <= 2) is nontrivial
    dis_matrix = jax.random.uniform(k2, (O, O), dtype=jnp.float32) * 4.0
    W1 = jax.random.normal(k3, (2 * O, DM), dtype=jnp.float32) * 0.02
    b1 = jnp.zeros((DM,), dtype=jnp.float32)
    W2 = jax.random.normal(k4, (DM, DM), dtype=jnp.float32) * 0.02
    b2 = jnp.zeros((DM,), dtype=jnp.float32)
    return {"X": X, "dis_matrix": dis_matrix, "W1": W1, "b1": b1, "W2": W2, "b2": b2}

def reference(X, dis_matrix, W1, b1, W2, b2):
    Bx, Lx, Ox, Dx = X.shape
    sem_neibor = X > 0                      # [B,L,O,O]
    geo_neibor = dis_matrix <= 2.0          # [O,O]
    # X_[:, :, i] = cat(X[:, :, i], X[:, :, :, i]) -> concat X with its tile-transpose
    X_ = jnp.concatenate([X, jnp.swapaxes(X, 2, 3)], axis=-1)  # [B,L,O,2O]
    Y = X_ @ W1 + b1                        # [B,L,O,DM]
    # geo branch: dis_w_j = sqrt(dis[i,j]) masked by geo_neibor, / sum_j sqrt(dis[i,j])
    sd = jnp.sqrt(dis_matrix)
    dis_w = (sd * geo_neibor.astype(Y.dtype)) / jnp.sum(sd, axis=1, keepdims=True)  # [O,O]
    f_sum = jnp.einsum('ij,bljd->blid', dis_w, Y)
    geo_out = (Y + f_sum) @ W2 + b2
    # sem branch: neighbors if origin or destination flow > 0 (index_o | index_d)
    mask = (sem_neibor | jnp.swapaxes(sem_neibor, 2, 3)).astype(Y.dtype)  # [B,L,O,O]
    tile_deg = X_.sum(axis=-1)              # [B,L,O]
    sum_deg = tile_deg.sum(axis=-1)         # [B,L]
    deg_w = mask * tile_deg[:, :, None, :] / sum_deg[:, :, None, None]   # [B,L,O,O]
    b_sum = jnp.einsum('blij,bljd->blid', deg_w, Y)
    sem_out = (Y + b_sum) @ W2 + b2
    return jnp.concatenate([geo_out, sem_out], axis=-1)  # [B,L,O,2*DM]

if __name__ == "__main__":
    import jax
    _d = setup_inputs()
    print(jax.jit(kernel)(*tuple(_d.values())))

</pallas_src>

<mosaic_0001>
module attributes {stable_mosaic.version = 14 : i64} {
  func.func @_main_step(%arg0: i32, %arg1: memref<8x100x100xf32, #tpu.memory_space<vmem>>, %arg2: memref<100x100xf32, #tpu.memory_space<vmem>>, %arg3: memref<200x128xf32, #tpu.memory_space<vmem>>, %arg4: memref<1x128xf32, #tpu.memory_space<vmem>>, %arg5: memref<128x128xf32, #tpu.memory_space<vmem>>, %arg6: memref<1x128xf32, #tpu.memory_space<vmem>>, %arg7: memref<8x100x256xf32, #tpu.memory_space<vmem>>, %arg8: memref<112x112xbf16, #tpu.memory_space<vmem>>, %arg9: memref<224x128xbf16, #tpu.memory_space<vmem>>, %arg10: memref<8x112x112xbf16, #tpu.memory_space<vmem>>, %arg11: memref<8x112x112xbf16, #tpu.memory_space<vmem>>, %arg12: memref<8x112xf32, #tpu.memory_space<vmem>>) attributes {dimension_semantics = [#tpu.dimension_semantics<arbitrary>], iteration_bounds = array<i64: 48>, scalar_prefetch = 0 : i64, scratch_operands = 5 : i64, tpu.core_type = #tpu.core_type<tc>, window_params = [{transform_indices = @transform_0, window_bounds = array<i64: 8, 100, 100>}, {pipeline_mode = #tpu.pipeline_mode<synchronous>, transform_indices = @transform_1, window_bounds = array<i64: 100, 100>}, {pipeline_mode = #tpu.pipeline_mode<synchronous>, transform_indices = @transform_2, window_bounds = array<i64: 200, 128>}, {pipeline_mode = #tpu.pipeline_mode<synchronous>, transform_indices = @transform_3, window_bounds = array<i64: 1, 128>}, {pipeline_mode = #tpu.pipeline_mode<synchronous>, transform_indices = @transform_4, window_bounds = array<i64: 128, 128>}, {pipeline_mode = #tpu.pipeline_mode<synchronous>, transform_indices = @transform_5, window_bounds = array<i64: 1, 128>}, {transform_indices = @transform_6, window_bounds = array<i64: 8, 100, 256>}]} {
    %eq3A = arith.constant 0 : i32
    %eq3A_0 = arith.cmpi eq, %arg0, %eq3A : i32
    %convert_element_type3A = arith.extui %eq3A_0 : i1 to i32
    %cond3A = arith.constant 0 : i32
    %cond3A_1 = arith.cmpi ne, %convert_element_type3A, %cond3A : i32
    scf.if %cond3A_1 {
      %get3A_449 = arith.constant 0 : index
      %get3A_450 = arith.constant 0 : index
      %get3A_451 = vector.load %arg2[%get3A_449, %get3A_450] : memref<100x100xf32, #tpu.memory_space<vmem>>, vector<100x100xf32>
      %sqrt3A = math.sqrt %get3A_451 : vector<100x100xf32>
      %le3A = arith.constant 2.000000e+00 : f32
      %le3A_452 = vector.broadcast %le3A : f32 to vector<100x100xf32>
      %le3A_453 = arith.cmpf ole, %get3A_451, %le3A_452 : vector<100x100xf32>
      %jit3A_454 = arith.constant 0.000000e+00 : f32
      %broadcast_in_dim3A_455 = vector.broadcast %jit3A_454 : f32 to vector<100x100xf32>
      %select_n3A_456 = arith.select %le3A_453, %sqrt3A, %broadcast_in_dim3A_455 : vector<100x100xi1>, vector<100x100xf32>
      %reduce_sum3A_457 = arith.constant dense<0.000000e+00> : vector<100xf32>
      %reduce_sum3A_458 = vector.multi_reduction <add>, %sqrt3A, %reduce_sum3A_457 [1] : vector<100x100xf32> to vector<100xf32>
      %broadcast_in_dim3A_459 = vector.shape_cast %reduce_sum3A_458 : vector<100xf32> to vector<100x1xf32>
      %div3A_460 = vector.broadcast %broadcast_in_dim3A_459 : vector<100x1xf32> to vector<100x100xf32>
      %div3A_461 = arith.divf %select_n3A_456, %div3A_460 : vector<100x100xf32>
      %broadcast_in_dim3A_462 = arith.constant 0.000000e+00 : bf16
      %broadcast_in_dim3A_463 = vector.broadcast %broadcast_in_dim3A_462 : bf16 to vector<112x112xbf16>
      %swap3A_464 = arith.constant 0 : index
      %swap3A_465 = arith.constant 0 : index
      %swap3A_466 = vector.load %arg8[%swap3A_464, %swap3A_465] : memref<112x112xbf16, #tpu.memory_space<vmem>>, vector<112x112xbf16>
      tpu.vector_store %arg8[%swap3A_464, %swap3A_465], %broadcast_in_dim3A_463 {strides = array<i32>} : memref<112x112xbf16, #tpu.memory_space<vmem>>, vector<112x112xbf16>,
      %convert_element_type3A_467 = arith.truncf %div3A_461 : vector<100x100xf32> to vector<100x100xbf16>
      %swap3A_468 = arith.constant 0 : index
      %swap3A_469 = arith.constant 0 : index
      %swap3A_470 = vector.load %arg8[%swap3A_468, %swap3A_469] : memref<112x112xbf16, #tpu.memory_space<vmem>>, vector<100x100xbf16>
      tpu.vector_store %arg8[%swap3A_468, %swap3A_469], %convert_element_type3A_467 {strides = array<i32>} : memref<112x112xbf16, #tpu.memory_space<vmem>>, vector<100x100xbf16>,
      %get3A_471 = arith.constant 0 : index
      %get3A_472 = arith.constant 0 : index
      %get3A_473 = vector.load %arg3[%get3A_471, %get3A_472] : memref<200x128xf32, #tpu.memory_space<vmem>>, vector<200x128xf32>
      %broadcast_in_dim3A_474 = arith.constant 0.000000e+00 : bf16
      %broadcast_in_dim3A_475 = vector.broadcast %broadcast_in_dim3A_474 : bf16 to vector<224x128xbf16>
      %swap3A_476 = arith.constant 0 : index
      %swap3A_477 = arith.constant 0 : index
      %swap3A_478 = vector.load %arg9[%swap3A_476, %swap3A_477] : memref<224x128xbf16, #tpu.memory_space<vmem>>, vector<224x128xbf16>
      tpu.vector_store %arg9[%swap3A_476, %swap3A_477], %broadcast_in_dim3A_475 {strides = array<i32>} : memref<224x128xbf16, #tpu.memory_space<vmem>>, vector<224x128xbf16>,
      %slice3A_479 = vector.extract_strided_slice %get3A_473 {offsets = [0, 0], sizes = [100, 128], strides = [1, 1]} : vector<200x128xf32> to vector<100x128xf32>
      %convert_element_type3A_480 = arith.truncf %slice3A_479 : vector<100x128xf32> to vector<100x128xbf16>
      %swap3A_481 = arith.constant 0 : index
      %swap3A_482 = arith.constant 0 : index
      %swap3A_483 = vector.load %arg9[%swap3A_481, %swap3A_482] : memref<224x128xbf16, #tpu.memory_space<vmem>>, vector<100x128xbf16>
      tpu.vector_store %arg9[%swap3A_481, %swap3A_482], %convert_element_type3A_480 {strides = array<i32>} : memref<224x128xbf16, #tpu.memory_space<vmem>>, vector<100x128xbf16>,
      %slice3A_484 = vector.extract_strided_slice %get3A_473 {offsets = [100, 0], sizes = [100, 128], strides = [1, 1]} : vector<200x128xf32> to vector<100x128xf32>
      %convert_element_type3A_485 = arith.truncf %slice3A_484 : vector<100x128xf32> to vector<100x128xbf16>
      %swap3A_486 = arith.constant 112 : index
      %swap3A_487 = arith.constant 0 : index
      %swap3A_488 = vector.load %arg9[%swap3A_486, %swap3A_487] : memref<224x128xbf16, #tpu.memory_space<vmem>>, vector<100x128xbf16>
      tpu.vector_store %arg9[%swap3A_486, %swap3A_487], %convert_element_type3A_485 {strides = array<i32>} : memref<224x128xbf16, #tpu.memory_space<vmem>>, vector<100x128xbf16>,
      %broadcast_in_dim3A_489 = arith.constant 0.000000e+00 : bf16
      %broadcast_in_dim3A_490 = vector.broadcast %broadcast_in_dim3A_489 : bf16 to vector<8x112x112xbf16>
      %swap3A_491 = arith.constant 0 : index
      %swap3A_492 = arith.constant 0 : index
      %swap3A_493 = arith.constant 0 : index
      %swap3A_494 = vector.load %arg10[%swap3A_491, %swap3A_492, %swap3A_493] : memref<8x112x112xbf16, #tpu.memory_space<vmem>>, vector<8x112x112xbf16>
      tpu.vector_store %arg10[%swap3A_491, %swap3A_492, %swap3A_493], %broadcast_in_dim3A_490 {strides = array<i32>} : memref<8x112x112xbf16, #tpu.memory_space<vmem>>, vector<8x112x112xbf16>,
      %broadcast_in_dim3A_495 = arith.constant 0.000000e+00 : bf16
      %broadcast_in_dim3A_496 = vector.broadcast %broadcast_in_dim3A_495 : bf16 to vector<8x112x112xbf16>
      %swap3A_497 = arith.constant 0 : index
      %swap3A_498 = arith.constant 0 : index
      %swap3A_499 = arith.constant 0 : index
      %swap3A_500 = vector.load %arg11[%swap3A_497, %swap3A_498, %swap3A_499] : memref<8x112x112xbf16, #tpu.memory_space<vmem>>, vector<8x112x112xbf16>
      tpu.vector_store %arg11[%swap3A_497, %swap3A_498, %swap3A_499], %broadcast_in_dim3A_496 {strides = array<i32>} : memref<8x112x112xbf16, #tpu.memory_space<vmem>>, vector<8x112x112xbf16>,
    } else {
    }
    %get3A = arith.constant 0 : index
    %get3A_2 = arith.constant 0 : index
    %get3A_3 = vector.load %arg9[%get3A, %get3A_2] : memref<224x128xbf16, #tpu.memory_space<vmem>>, vector<224x128xbf16>
    %get3A_4 = arith.constant 0 : index
    %get3A_5 = arith.constant 0 : index
    %get3A_6 = vector.load %arg5[%get3A_4, %get3A_5] : memref<128x128xf32, #tpu.memory_space<vmem>>, vector<128x128xf32>
    %convert_element_type3A_7 = arith.truncf %get3A_6 : vector<128x128xf32> to vector<128x128xbf16>
    %get3A_8 = arith.constant 0 : index
    %get3A_9 = arith.constant 0 : index
    %get3A_10 = vector.load %arg4[%get3A_8, %get3A_9] : memref<1x128xf32, #tpu.memory_space<vmem>>, vector<1x128xf32>
    %get3A_11 = vector.shape_cast %get3A_10 : vector<1x128xf32> to vector<128xf32>
    %get3A_12 = arith.constant 0 : index
    %get3A_13 = arith.constant 0 : index
    %get3A_14 = vector.load %arg6[%get3A_12, %get3A_13] : memref<1x128xf32, #tpu.memory_space<vmem>>, vector<1x128xf32>
    %get3A_15 = vector.shape_cast %get3A_14 : vector<1x128xf32> to vector<128xf32>
    %get3A_16 = arith.constant 0 : index
    %get3A_17 = arith.constant 0 : index
    %get3A_18 = vector.load %arg8[%get3A_16, %get3A_17] : memref<112x112xbf16, #tpu.memory_space<vmem>>, vector<112x112xbf16>
    %get3A_19 = arith.constant 0 : index
    %get3A_20 = arith.constant 0 : index
    %get3A_21 = arith.constant 0 : index
    %get3A_22 = vector.load %arg1[%get3A_19, %get3A_20, %get3A_21] : memref<8x100x100xf32, #tpu.memory_space<vmem>>, vector<8x100x100xf32>
    %slice3A = vector.extract_strided_slice %get3A_22 {offsets = [0, 0, 0], sizes = [1, 100, 100], strides = [1, 1, 1]} : vector<8x100x100xf32> to vector<1x100x100xf32>
    %squeeze3A = vector.shape_cast %slice3A : vector<1x100x100xf32> to vector<100x100xf32>
    %transpose3A = tpu.transpose %squeeze3A, [1, 0] : vector<100x100xf32> -> vector<100x100xf32>
    %slice3A_23 = vector.extract_strided_slice %get3A_22 {offsets = [1, 0, 0], sizes = [1, 100, 100], strides = [1, 1, 1]} : vector<8x100x100xf32> to vector<1x100x100xf32>
    %squeeze3A_24 = vector.shape_cast %slice3A_23 : vector<1x100x100xf32> to vector<100x100xf32>
    %transpose3A_25 = tpu.transpose %squeeze3A_24, [1, 0] : vector<100x100xf32> -> vector<100x100xf32>
    %slice3A_26 = vector.extract_strided_slice %get3A_22 {offsets = [2, 0, 0], sizes = [1, 100, 100], strides = [1, 1, 1]} : vector<8x100x100xf32> to vector<1x100x100xf32>
    %squeeze3A_27 = vector.shape_cast %slice3A_26 : vector<1x100x100xf32> to vector<100x100xf32>
    %transpose3A_28 = tpu.transpose %squeeze3A_27, [1, 0] : vector<100x100xf32> -> vector<100x100xf32>
    %slice3A_29 = vector.extract_strided_slice %get3A_22 {offsets = [3, 0, 0], sizes = [1, 100, 100], strides = [1, 1, 1]} : vector<8x100x100xf32> to vector<1x100x100xf32>
    %squeeze3A_30 = vector.shape_cast %slice3A_29 : vector<1x100x100xf32> to vector<100x100xf32>
    %transpose3A_31 = tpu.transpose %squeeze3A_30, [1, 0] : vector<100x100xf32> -> vector<100x100xf32>
    %slice3A_32 = vector.extract_strided_slice %get3A_22 {offsets = [4, 0, 0], sizes = [1, 100, 100], strides = [1, 1, 1]} : vector<8x100x100xf32> to vector<1x100x100xf32>
    %squeeze3A_33 = vector.shape_cast %slice3A_32 : vector<1x100x100xf32> to vector<100x100xf32>
    %transpose3A_34 = tpu.transpose %squeeze3A_33, [1, 0] : vector<100x100xf32> -> vector<100x100xf32>
    %slice3A_35 = vector.extract_strided_slice %get3A_22 {offsets = [5, 0, 0], sizes = [1, 100, 100], strides = [1, 1, 1]} : vector<8x100x100xf32> to vector<1x100x100xf32>
    %squeeze3A_36 = vector.shape_cast %slice3A_35 : vector<1x100x100xf32> to vector<100x100xf32>
    %transpose3A_37 = tpu.transpose %squeeze3A_36, [1, 0] : vector<100x100xf32> -> vector<100x100xf32>
    %slice3A_38 = vector.extract_strided_slice %get3A_22 {offsets = [6, 0, 0], sizes = [1, 100, 100], strides = [1, 1, 1]} : vector<8x100x100xf32> to vector<1x100x100xf32>
    %squeeze3A_39 = vector.shape_cast %slice3A_38 : vector<1x100x100xf32> to vector<100x100xf32>
    %transpose3A_40 = tpu.transpose %squeeze3A_39, [1, 0] : vector<100x100xf32> -> vector<100x100xf32>
    %slice3A_41 = vector.extract_strided_slice %get3A_22 {offsets = [7, 0, 0], sizes = [1, 100, 100], strides = [1, 1, 1]} : vector<8x100x100xf32> to vector<1x100x100xf32>
    %squeeze3A_42 = vector.shape_cast %slice3A_41 : vector<1x100x100xf32> to vector<100x100xf32>
    %transpose3A_43 = tpu.transpose %squeeze3A_42, [1, 0] : vector<100x100xf32> -> vector<100x100xf32>
    %convert_element_type3A_44 = arith.truncf %get3A_22 : vector<8x100x100xf32> to vector<8x100x100xbf16>
    %swap3A = arith.constant 0 : index
    %swap3A_45 = arith.constant 0 : index
    %swap3A_46 = arith.constant 0 : index
    %swap3A_47 = vector.load %arg10[%swap3A, %swap3A_45, %swap3A_46] : memref<8x112x112xbf16, #tpu.memory_space<vmem>>, vector<8x100x100xbf16>
    tpu.vector_store %arg10[%swap3A, %swap3A_45, %swap3A_46], %convert_element_type3A_44 {strides = array<i32>} : memref<8x112x112xbf16, #tpu.memory_space<vmem>>, vector<8x100x100xbf16>,
    %convert_element_type3A_48 = arith.truncf %transpose3A : vector<100x100xf32> to vector<100x100xbf16>
    %swap3A_49 = arith.constant 0 : index
    %swap3A_50 = arith.constant 0 : index
    %swap3A_51 = arith.constant 0 : index
    %swap3A_52 = vector.load %arg11[%swap3A_49, %swap3A_50, %swap3A_51] : memref<8x112x112xbf16, #tpu.memory_space<vmem>>, vector<1x100x100xbf16>
    %swap3A_53 = vector.shape_cast %swap3A_52 : vector<1x100x100xbf16> to vector<100x100xbf16>
    %swap3A_54 = vector.shape_cast %convert_element_type3A_48 : vector<100x100xbf16> to vector<1x100x100xbf16>
    tpu.vector_store %arg11[%swap3A_49, %swap3A_50, %swap3A_51], %swap3A_54 {strides = array<i32>} : memref<8x112x112xbf16, #tpu.memory_space<vmem>>, vector<1x100x100xbf16>,
    %convert_element_type3A_55 = arith.truncf %transpose3A_25 : vector<100x100xf32> to vector<100x100xbf16>
    %swap3A_56 = arith.constant 1 : index
    %swap3A_57 = arith.constant 0 : index
    %swap3A_58 = arith.constant 0 : index
    %swap3A_59 = vector.load %arg11[%swap3A_56, %swap3A_57, %swap3A_58] : memref<8x112x112xbf16, #tpu.memory_space<vmem>>, vector<1x100x100xbf16>
    %swap3A_60 = vector.shape_cast %swap3A_59 : vector<1x100x100xbf16> to vector<100x100xbf16>
    %swap3A_61 = vector.shape_cast %convert_element_type3A_55 : vector<100x100xbf16> to vector<1x100x100xbf16>
    tpu.vector_store %arg11[%swap3A_56, %swap3A_57, %swap3A_58], %swap3A_61 {strides = array<i32>} : memref<8x112x112xbf16, #tpu.memory_space<vmem>>, vector<1x100x100xbf16>,
    %convert_element_type3A_62 = arith.truncf %transpose3A_28 : vector<100x100xf32> to vector<100x100xbf16>
    %swap3A_63 = arith.constant 2 : index
    %swap3A_64 = arith.constant 0 : index
    %swap3A_65 = arith.constant 0 : index
    %swap3A_66 = vector.load %arg11[%swap3A_63, %swap3A_64, %swap3A_65] : memref<8x112x112xbf16, #tpu.memory_space<vmem>>, vector<1x100x100xbf16>
    %swap3A_67 = vector.shape_cast %swap3A_66 : vector<1x100x100xbf16> to vector<100x100xbf16>
    %swap3A_68 = vector.shape_cast %convert_element_type3A_62 : vector<100x100xbf16> to vector<1x100x100xbf16>
    tpu.vector_store %arg11[%swap3A_63, %swap3A_64, %swap3A_65], %swap3A_68 {strides = array<i32>} : memref<8x112x112xbf16, #tpu.memory_space<vmem>>, vector<1x100x100xbf16>,
    %convert_element_type3A_69 = arith.truncf %transpose3A_31 : vector<100x100xf32> to vector<100x100xbf16>
    %swap3A_70 = arith.constant 3 : index
    %swap3A_71 = arith.constant 0 : index
    %swap3A_72 = arith.constant 0 : index
    %swap3A_73 = vector.load %arg11[%swap3A_70, %swap3A_71, %swap3A_72] : memref<8x112x112xbf16, #tpu.memory_space<vmem>>, vector<1x100x100xbf16>
    %swap3A_74 = vector.shape_cast %swap3A_73 : vector<1x100x100xbf16> to vector<100x100xbf16>
    %swap3A_75 = vector.shape_cast %convert_element_type3A_69 : vector<100x100xbf16> to vector<1x100x100xbf16>
    tpu.vector_store %arg11[%swap3A_70, %swap3A_71, %swap3A_72], %swap3A_75 {strides = array<i32>} : memref<8x112x112xbf16, #tpu.memory_space<vmem>>, vector<1x100x100xbf16>,
    %convert_element_type3A_76 = arith.truncf %transpose3A_34 : vector<100x100xf32> to vector<100x100xbf16>
    %swap3A_77 = arith.constant 4 : index
    %swap3A_78 = arith.constant 0 : index
    %swap3A_79 = arith.constant 0 : index
    %swap3A_80 = vector.load %arg11[%swap3A_77, %swap3A_78, %swap3A_79] : memref<8x112x112xbf16, #tpu.memory_space<vmem>>, vector<1x100x100xbf16>
    %swap3A_81 = vector.shape_cast %swap3A_80 : vector<1x100x100xbf16> to vector<100x100xbf16>
    %swap3A_82 = vector.shape_cast %convert_element_type3A_76 : vector<100x100xbf16> to vector<1x100x100xbf16>
    tpu.vector_store %arg11[%swap3A_77, %swap3A_78, %swap3A_79], %swap3A_82 {strides = array<i32>} : memref<8x112x112xbf16, #tpu.memory_space<vmem>>, vector<1x100x100xbf16>,
    %convert_element_type3A_83 = arith.truncf %transpose3A_37 : vector<100x100xf32> to vector<100x100xbf16>
    %swap3A_84 = arith.constant 5 : index
    %swap3A_85 = arith.constant 0 : index
    %swap3A_86 = arith.constant 0 : index
    %swap3A_87 = vector.load %arg11[%swap3A_84, %swap3A_85, %swap3A_86] : memref<8x112x112xbf16, #tpu.memory_space<vmem>>, vector<1x100x100xbf16>
    %swap3A_88 = vector.shape_cast %swap3A_87 : vector<1x100x100xbf16> to vector<100x100xbf16>
    %swap3A_89 = vector.shape_cast %convert_element_type3A_83 : vector<100x100xbf16> to vector<1x100x100xbf16>
    tpu.vector_store %arg11[%swap3A_84, %swap3A_85, %swap3A_86], %swap3A_89 {strides = array<i32>} : memref<8x112x112xbf16, #tpu.memory_space<vmem>>, vector<1x100x100xbf16>,
    %convert_element_type3A_90 = arith.truncf %transpose3A_40 : vector<100x100xf32> to vector<100x100xbf16>
    %swap3A_91 = arith.constant 6 : index
    %swap3A_92 = arith.constant 0 : index
    %swap3A_93 = arith.constant 0 : index
    %swap3A_94 = vector.load %arg11[%swap3A_91, %swap3A_92, %swap3A_93] : memref<8x112x112xbf16, #tpu.memory_space<vmem>>, vector<1x100x100xbf16>
    %swap3A_95 = vector.shape_cast %swap3A_94 : vector<1x100x100xbf16> to vector<100x100xbf16>
    %swap3A_96 = vector.shape_cast %convert_element_type3A_90 : vector<100x100xbf16> to vector<1x100x100xbf16>
    tpu.vector_store %arg11[%swap3A_91, %swap3A_92, %swap3A_93], %swap3A_96 {strides = array<i32>} : memref<8x112x112xbf16, #tpu.memory_space<vmem>>, vector<1x100x100xbf16>,
    %convert_element_type3A_97 = arith.truncf %transpose3A_43 : vector<100x100xf32> to vector<100x100xbf16>
    %swap3A_98 = arith.constant 7 : index
    %swap3A_99 = arith.constant 0 : index
    %swap3A_100 = arith.constant 0 : index
    %swap3A_101 = vector.load %arg11[%swap3A_98, %swap3A_99, %swap3A_100] : memref<8x112x112xbf16, #tpu.memory_space<vmem>>, vector<1x100x100xbf16>
    %swap3A_102 = vector.shape_cast %swap3A_101 : vector<1x100x100xbf16> to vector<100x100xbf16>
    %swap3A_103 = vector.shape_cast %convert_element_type3A_97 : vector<100x100xbf16> to vector<1x100x100xbf16>
    tpu.vector_store %arg11[%swap3A_98, %swap3A_99, %swap3A_100], %swap3A_103 {strides = array<i32>} : memref<8x112x112xbf16, #tpu.memory_space<vmem>>, vector<1x100x100xbf16>,
    %reduce_sum3A = arith.constant dense<0.000000e+00> : vector<8x100xf32>
    %reduce_sum3A_104 = vector.multi_reduction <add>, %get3A_22, %reduce_sum3A [1] : vector<8x100x100xf32> to vector<8x100xf32>
    %stack3A = vector.shape_cast %transpose3A : vector<100x100xf32> to vector<1x100x100xf32>
    %stack3A_105 = vector.shape_cast %transpose3A_25 : vector<100x100xf32> to vector<1x100x100xf32>
    %stack3A_106 = vector.shape_cast %transpose3A_28 : vector<100x100xf32> to vector<1x100x100xf32>
    %stack3A_107 = vector.shape_cast %transpose3A_31 : vector<100x100xf32> to vector<1x100x100xf32>
    %stack3A_108 = vector.shape_cast %transpose3A_34 : vector<100x100xf32> to vector<1x100x100xf32>
    %stack3A_109 = vector.shape_cast %transpose3A_37 : vector<100x100xf32> to vector<1x100x100xf32>
    %stack3A_110 = vector.shape_cast %transpose3A_40 : vector<100x100xf32> to vector<1x100x100xf32>
    %stack3A_111 = vector.shape_cast %transpose3A_43 : vector<100x100xf32> to vector<1x100x100xf32>
    %stack3A_112 = tpu.concatenate %stack3A, %stack3A_105, %stack3A_106, %stack3A_107, %stack3A_108, %stack3A_109, %stack3A_110, %stack3A_111 in 0 : vector<1x100x100xf32>, vector<1x100x100xf32>, vector<1x100x100xf32>, vector<1x100x100xf32>, vector<1x100x100xf32>, vector<1x100x100xf32>, vector<1x100x100xf32>, vector<1x100x100xf32> -> vector<8x100x100xf32>
    %reduce_sum3A_113 = arith.constant dense<0.000000e+00> : vector<8x100xf32>
    %reduce_sum3A_114 = vector.multi_reduction <add>, %stack3A_112, %reduce_sum3A_113 [1] : vector<8x100x100xf32> to vector<8x100xf32>
    %add3A = arith.addf %reduce_sum3A_104, %reduce_sum3A_114 : vector<8x100xf32>
    %reduce_sum3A_115 = arith.constant dense<0.000000e+00> : vector<8xf32>
    %reduce_sum3A_116 = vector.multi_reduction <add>, %add3A, %reduce_sum3A_115 [1] : vector<8x100xf32> to vector<8xf32>
    %broadcast_in_dim3A = vector.shape_cast %reduce_sum3A_116 : vector<8xf32> to vector<8x1xf32>
    %div3A = vector.broadcast %broadcast_in_dim3A : vector<8x1xf32> to vector<8x100xf32>
    %div3A_117 = arith.divf %add3A, %div3A : vector<8x100xf32>
    %swap3A_118 = arith.constant 0 : index
    %swap3A_119 = arith.constant 0 : index
    %swap3A_120 = vector.load %arg12[%swap3A_118, %swap3A_119] : memref<8x112xf32, #tpu.memory_space<vmem>>, vector<8x100xf32>
    tpu.vector_store %arg12[%swap3A_118, %swap3A_119], %div3A_117 {strides = array<i32>} : memref<8x112xf32, #tpu.memory_space<vmem>>, vector<8x100xf32>,
    %get3A_121 = arith.constant 0 : index
    %get3A_122 = arith.constant 0 : index
    %get3A_123 = arith.constant 0 : index
    %get3A_124 = vector.load %arg10[%get3A_121, %get3A_122, %get3A_123] : memref<8x112x112xbf16, #tpu.memory_space<vmem>>, vector<8x112x112xbf16>
    %get3A_125 = arith.constant 0 : index
    %get3A_126 = arith.constant 0 : index
    %get3A_127 = arith.constant 0 : index
    %get3A_128 = vector.load %arg11[%get3A_125, %get3A_126, %get3A_127] : memref<8x112x112xbf16, #tpu.memory_space<vmem>>, vector<8x112x112xbf16>
    %reshape3A = vector.shape_cast %get3A_124 : vector<8x112x112xbf16> to vector<896x112xbf16>
    %reshape3A_129 = vector.shape_cast %get3A_128 : vector<8x112x112xbf16> to vector<896x112xbf16>
    %slice3A_130 = vector.extract_strided_slice %get3A_3 {offsets = [0, 0], sizes = [112, 128], strides = [1, 1]} : vector<224x128xbf16> to vector<112x128xbf16>
    %dot_general3A = arith.constant dense<0.000000e+00> : vector<896x128xf32>
    %dot_general3A_131 = tpu.matmul %reshape3A, %slice3A_130, %dot_general3A {dimension_numbers = #tpu.dot_dimension_numbers<[1], [0], [0], [1], [0, 0, 1, 1], [], []>, transpose_lhs_hint = false} : vector<896x112xbf16>, vector<112x128xbf16>, vector<896x128xf32> -> vector<896x128xf32>
    %slice3A_132 = vector.extract_strided_slice %get3A_3 {offsets = [112, 0], sizes = [112, 128], strides = [1, 1]} : vector<224x128xbf16> to vector<112x128xbf16>
    %dot_general3A_133 = arith.constant dense<0.000000e+00> : vector<896x128xf32>
    %dot_general3A_134 = tpu.matmul %reshape3A_129, %slice3A_132, %dot_general3A_133 {dimension_numbers = #tpu.dot_dimension_numbers<[1], [0], [0], [1], [0, 0, 1, 1], [], []>, transpose_lhs_hint = false} : vector<896x112xbf16>, vector<112x128xbf16>, vector<896x128xf32> -> vector<896x128xf32>
    %add3A_135 = arith.addf %dot_general3A_131, %dot_general3A_134 : vector<896x128xf32>
    %broadcast_in_dim3A_136 = vector.shape_cast %get3A_11 : vector<128xf32> to vector<1x128xf32>
    %add3A_137 = vector.broadcast %broadcast_in_dim3A_136 : vector<1x128xf32> to vector<896x128xf32>
    %add3A_138 = arith.addf %add3A_135, %add3A_137 : vector<896x128xf32>
    %convert_element_type3A_139 = arith.truncf %add3A_138 : vector<896x128xf32> to vector<896x128xbf16>
    %slice3A_140 = vector.extract_strided_slice %convert_element_type3A_139 {offsets = [0, 0], sizes = [112, 128], strides = [1, 1]} : vector<896x128xbf16> to vector<112x128xbf16>
    %slice3A_141 = vector.extract_strided_slice %convert_element_type3A_139 {offsets = [112, 0], sizes = [112, 128], strides = [1, 1]} : vector<896x128xbf16> to vector<112x128xbf16>
    %slice3A_142 = vector.extract_strided_slice %convert_element_type3A_139 {offsets = [224, 0], sizes = [112, 128], strides = [1, 1]} : vector<896x128xbf16> to vector<112x128xbf16>
    %slice3A_143 = vector.extract_strided_slice %convert_element_type3A_139 {offsets = [336, 0], sizes = [112, 128], strides = [1, 1]} : vector<896x128xbf16> to vector<112x128xbf16>
    %slice3A_144 = vector.extract_strided_slice %convert_element_type3A_139 {offsets = [448, 0], sizes = [112, 128], strides = [1, 1]} : vector<896x128xbf16> to vector<112x128xbf16>
    %slice3A_145 = vector.extract_strided_slice %convert_element_type3A_139 {offsets = [560, 0], sizes = [112, 128], strides = [1, 1]} : vector<896x128xbf16> to vector<112x128xbf16>
    %slice3A_146 = vector.extract_strided_slice %convert_element_type3A_139 {offsets = [672, 0], sizes = [112, 128], strides = [1, 1]} : vector<896x128xbf16> to vector<112x128xbf16>
    %slice3A_147 = vector.extract_strided_slice %convert_element_type3A_139 {offsets = [784, 0], sizes = [112, 128], strides = [1, 1]} : vector<896x128xbf16> to vector<112x128xbf16>
    %concatenate3A = tpu.concatenate %slice3A_140, %slice3A_141, %slice3A_142, %slice3A_143, %slice3A_144, %slice3A_145, %slice3A_146, %slice3A_147 in 1 : vector<112x128xbf16>, vector<112x128xbf16>, vector<112x128xbf16>, vector<112x128xbf16>, vector<112x128xbf16>, vector<112x128xbf16>, vector<112x128xbf16>, vector<112x128xbf16> -> vector<112x1024xbf16>
    %dot_general3A_148 = arith.constant dense<0.000000e+00> : vector<112x1024xf32>
    %dot_general3A_149 = tpu.matmul %get3A_18, %concatenate3A, %dot_general3A_148 {dimension_numbers = #tpu.dot_dimension_numbers<[1], [0], [0], [1], [0, 0, 1, 1], [], []>, transpose_lhs_hint = false} : vector<112x112xbf16>, vector<112x1024xbf16>, vector<112x1024xf32> -> vector<112x1024xf32>
    %get3A_150 = arith.constant 0 : index
    %get3A_151 = arith.constant 0 : index
    %get3A_152 = vector.load %arg12[%get3A_150, %get3A_151] : memref<8x112xf32, #tpu.memory_space<vmem>>, vector<8x112xf32>
    %slice3A_153 = vector.extract_strided_slice %get3A_152 {offsets = [0, 0], sizes = [1, 112], strides = [1, 1]} : vector<8x112xf32> to vector<1x112xf32>
    %convert_element_type3A_154 = arith.truncf %slice3A_153 : vector<1x112xf32> to vector<1x112xbf16>
    %slice3A_155 = vector.extract_strided_slice %get3A_124 {offsets = [0, 0, 0], sizes = [1, 112, 112], strides = [1, 1, 1]} : vector<8x112x112xbf16> to vector<1x112x112xbf16>
    %squeeze3A_156 = vector.shape_cast %slice3A_155 : vector<1x112x112xbf16> to vector<112x112xbf16>
    %gt3A = arith.constant 0.000000e+00 : bf16
    %gt3A_157 = vector.broadcast %gt3A : bf16 to vector<112x112xbf16>
    %gt3A_158 = arith.cmpf ogt, %squeeze3A_156, %gt3A_157 : vector<112x112xbf16>
    %slice3A_159 = vector.extract_strided_slice %get3A_128 {offsets = [0, 0, 0], sizes = [1, 112, 112], strides = [1, 1, 1]} : vector<8x112x112xbf16> to vector<1x112x112xbf16>
    %squeeze3A_160 = vector.shape_cast %slice3A_159 : vector<1x112x112xbf16> to vector<112x112xbf16>
    %gt3A_161 = arith.constant 0.000000e+00 : bf16
    %gt3A_162 = vector.broadcast %gt3A_161 : bf16 to vector<112x112xbf16>
    %gt3A_163 = arith.cmpf ogt, %squeeze3A_160, %gt3A_162 : vector<112x112xbf16>
    %or3A = arith.ori %gt3A_158, %gt3A_163 : vector<112x112xi1>
    %broadcast_in_dim3A_164 = vector.shape_cast %convert_element_type3A_154 : vector<1x112xbf16> to vector<1x112xbf16>
    %broadcast_in_dim3A_165 = vector.broadcast %broadcast_in_dim3A_164 : vector<1x112xbf16> to vector<112x112xbf16>
    %jit3A = arith.constant 0.000000e+00 : bf16
    %broadcast_in_dim3A_166 = vector.broadcast %jit3A : bf16 to vector<112x112xbf16>
    %select_n3A = arith.select %or3A, %broadcast_in_dim3A_165, %broadcast_in_dim3A_166 : vector<112x112xi1>, vector<112x112xbf16>
    %slice3A_167 = vector.extract_strided_slice %convert_element_type3A_139 {offsets = [0, 0], sizes = [112, 128], strides = [1, 1]} : vector<896x128xbf16> to vector<112x128xbf16>
    %dot_general3A_168 = arith.constant dense<0.000000e+00> : vector<112x128xf32>
    %dot_general3A_169 = tpu.matmul %select_n3A, %slice3A_167, %dot_general3A_168 {dimension_numbers = #tpu.dot_dimension_numbers<[1], [0], [0], [1], [0, 0, 1, 1], [], []>, transpose_lhs_hint = false} : vector<112x112xbf16>, vector<112x128xbf16>, vector<112x128xf32> -> vector<112x128xf32>
    %slice3A_170 = vector.extract_strided_slice %add3A_138 {offsets = [0, 0], sizes = [112, 128], strides = [1, 1]} : vector<896x128xf32> to vector<112x128xf32>
    %slice3A_171 = vector.extract_strided_slice %dot_general3A_149 {offsets = [0, 0], sizes = [112, 128], strides = [1, 1]} : vector<112x1024xf32> to vector<112x128xf32>
    %add3A_172 = arith.addf %slice3A_170, %slice3A_171 : vector<112x128xf32>
    %convert_element_type3A_173 = arith.truncf %add3A_172 : vector<112x128xf32> to vector<112x128xbf16>
    %add3A_174 = arith.addf %slice3A_170, %dot_general3A_169 : vector<112x128xf32>
    %convert_element_type3A_175 = arith.truncf %add3A_174 : vector<112x128xf32> to vector<112x128xbf16>
    %slice3A_176 = vector.extract_strided_slice %get3A_152 {offsets = [1, 0], sizes = [1, 112], strides = [1, 1]} : vector<8x112xf32> to vector<1x112xf32>
    %convert_element_type3A_177 = arith.truncf %slice3A_176 : vector<1x112xf32> to vector<1x112xbf16>
    %slice3A_178 = vector.extract_strided_slice %get3A_124 {offsets = [1, 0, 0], sizes = [1, 112, 112], strides = [1, 1, 1]} : vector<8x112x112xbf16> to vector<1x112x112xbf16>
    %squeeze3A_179 = vector.shape_cast %slice3A_178 : vector<1x112x112xbf16> to vector<112x112xbf16>
    %gt3A_180 = arith.constant 0.000000e+00 : bf16
    %gt3A_181 = vector.broadcast %gt3A_180 : bf16 to vector<112x112xbf16>
    %gt3A_182 = arith.cmpf ogt, %squeeze3A_179, %gt3A_181 : vector<112x112xbf16>
    %slice3A_183 = vector.extract_strided_slice %get3A_128 {offsets = [1, 0, 0], sizes = [1, 112, 112], strides = [1, 1, 1]} : vector<8x112x112xbf16> to vector<1x112x112xbf16>
    %squeeze3A_184 = vector.shape_cast %slice3A_183 : vector<1x112x112xbf16> to vector<112x112xbf16>
    %gt3A_185 = arith.constant 0.000000e+00 : bf16
    %gt3A_186 = vector.broadcast %gt3A_185 : bf16 to vector<112x112xbf16>
    %gt3A_187 = arith.cmpf ogt, %squeeze3A_184, %gt3A_186 : vector<112x112xbf16>
    %or3A_188 = arith.ori %gt3A_182, %gt3A_187 : vector<112x112xi1>
    %broadcast_in_dim3A_189 = vector.shape_cast %convert_element_type3A_177 : vector<1x112xbf16> to vector<1x112xbf16>
    %broadcast_in_dim3A_190 = vector.broadcast %broadcast_in_dim3A_189 : vector<1x112xbf16> to vector<112x112xbf16>
    %jit3A_191 = arith.constant 0.000000e+00 : bf16
    %broadcast_in_dim3A_192 = vector.broadcast %jit3A_191 : bf16 to vector<112x112xbf16>
    %select_n3A_193 = arith.select %or3A_188, %broadcast_in_dim3A_190, %broadcast_in_dim3A_192 : vector<112x112xi1>, vector<112x112xbf16>
    %slice3A_194 = vector.extract_strided_slice %convert_element_type3A_139 {offsets = [112, 0], sizes = [112, 128], strides = [1, 1]} : vector<896x128xbf16> to vector<112x128xbf16>
    %dot_general3A_195 = arith.constant dense<0.000000e+00> : vector<112x128xf32>
    %dot_general3A_196 = tpu.matmul %select_n3A_193, %slice3A_194, %dot_general3A_195 {dimension_numbers = #tpu.dot_dimension_numbers<[1], [0], [0], [1], [0, 0, 1, 1], [], []>, transpose_lhs_hint = false} : vector<112x112xbf16>, vector<112x128xbf16>, vector<112x128xf32> -> vector<112x128xf32>
    %slice3A_197 = vector.extract_strided_slice %add3A_138 {offsets = [112, 0], sizes = [112, 128], strides = [1, 1]} : vector<896x128xf32> to vector<112x128xf32>
    %slice3A_198 = vector.extract_strided_slice %dot_general3A_149 {offsets = [0, 128], sizes = [112, 128], strides = [1, 1]} : vector<112x1024xf32> to vector<112x128xf32>
    %add3A_199 = arith.addf %slice3A_197, %slice3A_198 : vector<112x128xf32>
    %convert_element_type3A_200 = arith.truncf %add3A_199 : vector<112x128xf32> to vector<112x128xbf16>
    %add3A_201 = arith.addf %slice3A_197, %dot_general3A_196 : vector<112x128xf32>
    %convert_element_type3A_202 = arith.truncf %add3A_201 : vector<112x128xf32> to vector<112x128xbf16>
    %slice3A_203 = vector.extract_strided_slice %get3A_152 {offsets = [2, 0], sizes = [1, 112], strides = [1, 1]} : vector<8x112xf32> to vector<1x112xf32>
    %convert_element_type3A_204 = arith.truncf %slice3A_203 : vector<1x112xf32> to vector<1x112xbf16>
    %slice3A_205 = vector.extract_strided_slice %get3A_124 {offsets = [2, 0, 0], sizes = [1, 112, 112], strides = [1, 1, 1]} : vector<8x112x112xbf16> to vector<1x112x112xbf16>
    %squeeze3A_206 = vector.shape_cast %slice3A_205 : vector<1x112x112xbf16> to vector<112x112xbf16>
    %gt3A_207 = arith.constant 0.000000e+00 : bf16
    %gt3A_208 = vector.broadcast %gt3A_207 : bf16 to vector<112x112xbf16>
    %gt3A_209 = arith.cmpf ogt, %squeeze3A_206, %gt3A_208 : vector<112x112xbf16>
    %slice3A_210 = vector.extract_strided_slice %get3A_128 {offsets = [2, 0, 0], sizes = [1, 112, 112], strides = [1, 1, 1]} : vector<8x112x112xbf16> to vector<1x112x112xbf16>
    %squeeze3A_211 = vector.shape_cast %slice3A_210 : vector<1x112x112xbf16> to vector<112x112xbf16>
    %gt3A_212 = arith.constant 0.000000e+00 : bf16
    %gt3A_213 = vector.broadcast %gt3A_212 : bf16 to vector<112x112xbf16>
    %gt3A_214 = arith.cmpf ogt, %squeeze3A_211, %gt3A_213 : vector<112x112xbf16>
    %or3A_215 = arith.ori %gt3A_209, %gt3A_214 : vector<112x112xi1>
    %broadcast_in_dim3A_216 = vector.shape_cast %convert_element_type3A_204 : vector<1x112xbf16> to vector<1x112xbf16>
    %broadcast_in_dim3A_217 = vector.broadcast %broadcast_in_dim3A_216 : vector<1x112xbf16> to vector<112x112xbf16>
    %jit3A_218 = arith.constant 0.000000e+00 : bf16
    %broadcast_in_dim3A_219 = vector.broadcast %jit3A_218 : bf16 to vector<112x112xbf16>
    %select_n3A_220 = arith.select %or3A_215, %broadcast_in_dim3A_217, %broadcast_in_dim3A_219 : vector<112x112xi1>, vector<112x112xbf16>
    %slice3A_221 = vector.extract_strided_slice %convert_element_type3A_139 {offsets = [224, 0], sizes = [112, 128], strides = [1, 1]} : vector<896x128xbf16> to vector<112x128xbf16>
    %dot_general3A_222 = arith.constant dense<0.000000e+00> : vector<112x128xf32>
    %dot_general3A_223 = tpu.matmul %select_n3A_220, %slice3A_221, %dot_general3A_222 {dimension_numbers = #tpu.dot_dimension_numbers<[1], [0], [0], [1], [0, 0, 1, 1], [], []>, transpose_lhs_hint = false} : vector<112x112xbf16>, vector<112x128xbf16>, vector<112x128xf32> -> vector<112x128xf32>
    %slice3A_224 = vector.extract_strided_slice %add3A_138 {offsets = [224, 0], sizes = [112, 128], strides = [1, 1]} : vector<896x128xf32> to vector<112x128xf32>
    %slice3A_225 = vector.extract_strided_slice %dot_general3A_149 {offsets = [0, 256], sizes = [112, 128], strides = [1, 1]} : vector<112x1024xf32> to vector<112x128xf32>
    %add3A_226 = arith.addf %slice3A_224, %slice3A_225 : vector<112x128xf32>
    %convert_element_type3A_227 = arith.truncf %add3A_226 : vector<112x128xf32> to vector<112x128xbf16>
    %add3A_228 = arith.addf %slice3A_224, %dot_general3A_223 : vector<112x128xf32>
    %convert_element_type3A_229 = arith.truncf %add3A_228 : vector<112x128xf32> to vector<112x128xbf16>
    %slice3A_230 = vector.extract_strided_slice %get3A_152 {offsets = [3, 0], sizes = [1, 112], strides = [1, 1]} : vector<8x112xf32> to vector<1x112xf32>
    %convert_element_type3A_231 = arith.truncf %slice3A_230 : vector<1x112xf32> to vector<1x112xbf16>
    %slice3A_232 = vector.extract_strided_slice %get3A_124 {offsets = [3, 0, 0], sizes = [1, 112, 112], strides = [1, 1, 1]} : vector<8x112x112xbf16> to vector<1x112x112xbf16>
    %squeeze3A_233 = vector.shape_cast %slice3A_232 : vector<1x112x112xbf16> to vector<112x112xbf16>
    %gt3A_234 = arith.constant 0.000000e+00 : bf16
    %gt3A_235 = vector.broadcast %gt3A_234 : bf16 to vector<112x112xbf16>
    %gt3A_236 = arith.cmpf ogt, %squeeze3A_233, %gt3A_235 : vector<112x112xbf16>
    %slice3A_237 = vector.extract_strided_slice %get3A_128 {offsets = [3, 0, 0], sizes = [1, 112, 112], strides = [1, 1, 1]} : vector<8x112x112xbf16> to vector<1x112x112xbf16>
    %squeeze3A_238 = vector.shape_cast %slice3A_237 : vector<1x112x112xbf16> to vector<112x112xbf16>
    %gt3A_239 = arith.constant 0.000000e+00 : bf16
    %gt3A_240 = vector.broadcast %gt3A_239 : bf16 to vector<112x112xbf16>
    %gt3A_241 = arith.cmpf ogt, %squeeze3A_238, %gt3A_240 : vector<112x112xbf16>
    %or3A_242 = arith.ori %gt3A_236, %gt3A_241 : vector<112x112xi1>
    %broadcast_in_dim3A_243 = vector.shape_cast %convert_element_type3A_231 : vector<1x112xbf16> to vector<1x112xbf16>
    %broadcast_in_dim3A_244 = vector.broadcast %broadcast_in_dim3A_243 : vector<1x112xbf16> to vector<112x112xbf16>
    %jit3A_245 = arith.constant 0.000000e+00 : bf16
    %broadcast_in_dim3A_246 = vector.broadcast %jit3A_245 : bf16 to vector<112x112xbf16>
    %select_n3A_247 = arith.select %or3A_242, %broadcast_in_dim3A_244, %broadcast_in_dim3A_246 : vector<112x112xi1>, vector<112x112xbf16>
    %slice3A_248 = vector.extract_strided_slice %convert_element_type3A_139 {offsets = [336, 0], sizes = [112, 128], strides = [1, 1]} : vector<896x128xbf16> to vector<112x128xbf16>
    %dot_general3A_249 = arith.constant dense<0.000000e+00> : vector<112x128xf32>
    %dot_general3A_250 = tpu.matmul %select_n3A_247, %slice3A_248, %dot_general3A_249 {dimension_numbers = #tpu.dot_dimension_numbers<[1], [0], [0], [1], [0, 0, 1, 1], [], []>, transpose_lhs_hint = false} : vector<112x112xbf16>, vector<112x128xbf16>, vector<112x128xf32> -> vector<112x128xf32>
    %slice3A_251 = vector.extract_strided_slice %add3A_138 {offsets = [336, 0], sizes = [112, 128], strides = [1, 1]} : vector<896x128xf32> to vector<112x128xf32>
    %slice3A_252 = vector.extract_strided_slice %dot_general3A_149 {offsets = [0, 384], sizes = [112, 128], strides = [1, 1]} : vector<112x1024xf32> to vector<112x128xf32>
    %add3A_253 = arith.addf %slice3A_251, %slice3A_252 : vector<112x128xf32>
    %convert_element_type3A_254 = arith.truncf %add3A_253 : vector<112x128xf32> to vector<112x128xbf16>
    %add3A_255 = arith.addf %slice3A_251, %dot_general3A_250 : vector<112x128xf32>
    %convert_element_type3A_256 = arith.truncf %add3A_255 : vector<112x128xf32> to vector<112x128xbf16>
    %slice3A_257 = vector.extract_strided_slice %get3A_152 {offsets = [4, 0], sizes = [1, 112], strides = [1, 1]} : vector<8x112xf32> to vector<1x112xf32>
    %convert_element_type3A_258 = arith.truncf %slice3A_257 : vector<1x112xf32> to vector<1x112xbf16>
    %slice3A_259 = vector.extract_strided_slice %get3A_124 {offsets = [4, 0, 0], sizes = [1, 112, 112], strides = [1, 1, 1]} : vector<8x112x112xbf16> to vector<1x112x112xbf16>
    %squeeze3A_260 = vector.shape_cast %slice3A_259 : vector<1x112x112xbf16> to vector<112x112xbf16>
    %gt3A_261 = arith.constant 0.000000e+00 : bf16
    %gt3A_262 = vector.broadcast %gt3A_261 : bf16 to vector<112x112xbf16>
    %gt3A_263 = arith.cmpf ogt, %squeeze3A_260, %gt3A_262 : vector<112x112xbf16>
    %slice3A_264 = vector.extract_strided_slice %get3A_128 {offsets = [4, 0, 0], sizes = [1, 112, 112], strides = [1, 1, 1]} : vector<8x112x112xbf16> to vector<1x112x112xbf16>
    %squeeze3A_265 = vector.shape_cast %slice3A_264 : vector<1x112x112xbf16> to vector<112x112xbf16>
    %gt3A_266 = arith.constant 0.000000e+00 : bf16
    %gt3A_267 = vector.broadcast %gt3A_266 : bf16 to vector<112x112xbf16>
    %gt3A_268 = arith.cmpf ogt, %squeeze3A_265, %gt3A_267 : vector<112x112xbf16>
    %or3A_269 = arith.ori %gt3A_263, %gt3A_268 : vector<112x112xi1>
    %broadcast_in_dim3A_270 = vector.shape_cast %convert_element_type3A_258 : vector<1x112xbf16> to vector<1x112xbf16>
    %broadcast_in_dim3A_271 = vector.broadcast %broadcast_in_dim3A_270 : vector<1x112xbf16> to vector<112x112xbf16>
    %jit3A_272 = arith.constant 0.000000e+00 : bf16
    %broadcast_in_dim3A_273 = vector.broadcast %jit3A_272 : bf16 to vector<112x112xbf16>
    %select_n3A_274 = arith.select %or3A_269, %broadcast_in_dim3A_271, %broadcast_in_dim3A_273 : vector<112x112xi1>, vector<112x112xbf16>
    %slice3A_275 = vector.extract_strided_slice %convert_element_type3A_139 {offsets = [448, 0], sizes = [112, 128], strides = [1, 1]} : vector<896x128xbf16> to vector<112x128xbf16>
    %dot_general3A_276 = arith.constant dense<0.000000e+00> : vector<112x128xf32>
    %dot_general3A_277 = tpu.matmul %select_n3A_274, %slice3A_275, %dot_general3A_276 {dimension_numbers = #tpu.dot_dimension_numbers<[1], [0], [0], [1], [0, 0, 1, 1], [], []>, transpose_lhs_hint = false} : vector<112x112xbf16>, vector<112x128xbf16>, vector<112x128xf32> -> vector<112x128xf32>
    %slice3A_278 = vector.extract_strided_slice %add3A_138 {offsets = [448, 0], sizes = [112, 128], strides = [1, 1]} : vector<896x128xf32> to vector<112x128xf32>
    %slice3A_279 = vector.extract_strided_slice %dot_general3A_149 {offsets = [0, 512], sizes = [112, 128], strides = [1, 1]} : vector<112x1024xf32> to vector<112x128xf32>
    %add3A_280 = arith.addf %slice3A_278, %slice3A_279 : vector<112x128xf32>
    %convert_element_type3A_281 = arith.truncf %add3A_280 : vector<112x128xf32> to vector<112x128xbf16>
    %add3A_282 = arith.addf %slice3A_278, %dot_general3A_277 : vector<112x128xf32>
    %convert_element_type3A_283 = arith.truncf %add3A_282 : vector<112x128xf32> to vector<112x128xbf16>
    %slice3A_284 = vector.extract_strided_slice %get3A_152 {offsets = [5, 0], sizes = [1, 112], strides = [1, 1]} : vector<8x112xf32> to vector<1x112xf32>
    %convert_element_type3A_285 = arith.truncf %slice3A_284 : vector<1x112xf32> to vector<1x112xbf16>
    %slice3A_286 = vector.extract_strided_slice %get3A_124 {offsets = [5, 0, 0], sizes = [1, 112, 112], strides = [1, 1, 1]} : vector<8x112x112xbf16> to vector<1x112x112xbf16>
    %squeeze3A_287 = vector.shape_cast %slice3A_286 : vector<1x112x112xbf16> to vector<112x112xbf16>
    %gt3A_288 = arith.constant 0.000000e+00 : bf16
    %gt3A_289 = vector.broadcast %gt3A_288 : bf16 to vector<112x112xbf16>
    %gt3A_290 = arith.cmpf ogt, %squeeze3A_287, %gt3A_289 : vector<112x112xbf16>
    %slice3A_291 = vector.extract_strided_slice %get3A_128 {offsets = [5, 0, 0], sizes = [1, 112, 112], strides = [1, 1, 1]} : vector<8x112x112xbf16> to vector<1x112x112xbf16>
    %squeeze3A_292 = vector.shape_cast %slice3A_291 : vector<1x112x112xbf16> to vector<112x112xbf16>
    %gt3A_293 = arith.constant 0.000000e+00 : bf16
    %gt3A_294 = vector.broadcast %gt3A_293 : bf16 to vector<112x112xbf16>
    %gt3A_295 = arith.cmpf ogt, %squeeze3A_292, %gt3A_294 : vector<112x112xbf16>
    %or3A_296 = arith.ori %gt3A_290, %gt3A_295 : vector<112x112xi1>
    %broadcast_in_dim3A_297 = vector.shape_cast %convert_element_type3A_285 : vector<1x112xbf16> to vector<1x112xbf16>
    %broadcast_in_dim3A_298 = vector.broadcast %broadcast_in_dim3A_297 : vector<1x112xbf16> to vector<112x112xbf16>
    %jit3A_299 = arith.constant 0.000000e+00 : bf16
    %broadcast_in_dim3A_300 = vector.broadcast %jit3A_299 : bf16 to vector<112x112xbf16>
    %select_n3A_301 = arith.select %or3A_296, %broadcast_in_dim3A_298, %broadcast_in_dim3A_300 : vector<112x112xi1>, vector<112x112xbf16>
    %slice3A_302 = vector.extract_strided_slice %convert_element_type3A_139 {offsets = [560, 0], sizes = [112, 128], strides = [1, 1]} : vector<896x128xbf16> to vector<112x128xbf16>
    %dot_general3A_303 = arith.constant dense<0.000000e+00> : vector<112x128xf32>
    %dot_general3A_304 = tpu.matmul %select_n3A_301, %slice3A_302, %dot_general3A_303 {dimension_numbers = #tpu.dot_dimension_numbers<[1], [0], [0], [1], [0, 0, 1, 1], [], []>, transpose_lhs_hint = false} : vector<112x112xbf16>, vector<112x128xbf16>, vector<112x128xf32> -> vector<112x128xf32>
    %slice3A_305 = vector.extract_strided_slice %add3A_138 {offsets = [560, 0], sizes = [112, 128], strides = [1, 1]} : vector<896x128xf32> to vector<112x128xf32>
    %slice3A_306 = vector.extract_strided_slice %dot_general3A_149 {offsets = [0, 640], sizes = [112, 128], strides = [1, 1]} : vector<112x1024xf32> to vector<112x128xf32>
    %add3A_307 = arith.addf %slice3A_305, %slice3A_306 : vector<112x128xf32>
    %convert_element_type3A_308 = arith.truncf %add3A_307 : vector<112x128xf32> to vector<112x128xbf16>
    %add3A_309 = arith.addf %slice3A_305, %dot_general3A_304 : vector<112x128xf32>
    %convert_element_type3A_310 = arith.truncf %add3A_309 : vector<112x128xf32> to vector<112x128xbf16>
    %slice3A_311 = vector.extract_strided_slice %get3A_152 {offsets = [6, 0], sizes = [1, 112], strides = [1, 1]} : vector<8x112xf32> to vector<1x112xf32>
    %convert_element_type3A_312 = arith.truncf %slice3A_311 : vector<1x112xf32> to vector<1x112xbf16>
    %slice3A_313 = vector.extract_strided_slice %get3A_124 {offsets = [6, 0, 0], sizes = [1, 112, 112], strides = [1, 1, 1]} : vector<8x112x112xbf16> to vector<1x112x112xbf16>
    %squeeze3A_314 = vector.shape_cast %slice3A_313 : vector<1x112x112xbf16> to vector<112x112xbf16>
    %gt3A_315 = arith.constant 0.000000e+00 : bf16
    %gt3A_316 = vector.broadcast %gt3A_315 : bf16 to vector<112x112xbf16>
    %gt3A_317 = arith.cmpf ogt, %squeeze3A_314, %gt3A_316 : vector<112x112xbf16>
    %slice3A_318 = vector.extract_strided_slice %get3A_128 {offsets = [6, 0, 0], sizes = [1, 112, 112], strides = [1, 1, 1]} : vector<8x112x112xbf16> to vector<1x112x112xbf16>
    %squeeze3A_319 = vector.shape_cast %slice3A_318 : vector<1x112x112xbf16> to vector<112x112xbf16>
    %gt3A_320 = arith.constant 0.000000e+00 : bf16
    %gt3A_321 = vector.broadcast %gt3A_320 : bf16 to vector<112x112xbf16>
    %gt3A_322 = arith.cmpf ogt, %squeeze3A_319, %gt3A_321 : vector<112x112xbf16>
    %or3A_323 = arith.ori %gt3A_317, %gt3A_322 : vector<112x112xi1>
    %broadcast_in_dim3A_324 = vector.shape_cast %convert_element_type3A_312 : vector<1x112xbf16> to vector<1x112xbf16>
    %broadcast_in_dim3A_325 = vector.broadcast %broadcast_in_dim3A_324 : vector<1x112xbf16> to vector<112x112xbf16>
    %jit3A_326 = arith.constant 0.000000e+00 : bf16
    %broadcast_in_dim3A_327 = vector.broadcast %jit3A_326 : bf16 to vector<112x112xbf16>
    %select_n3A_328 = arith.select %or3A_323, %broadcast_in_dim3A_325, %broadcast_in_dim3A_327 : vector<112x112xi1>, vector<112x112xbf16>
    %slice3A_329 = vector.extract_strided_slice %convert_element_type3A_139 {offsets = [672, 0], sizes = [112, 128], strides = [1, 1]} : vector<896x128xbf16> to vector<112x128xbf16>
    %dot_general3A_330 = arith.constant dense<0.000000e+00> : vector<112x128xf32>
    %dot_general3A_331 = tpu.matmul %select_n3A_328, %slice3A_329, %dot_general3A_330 {dimension_numbers = #tpu.dot_dimension_numbers<[1], [0], [0], [1], [0, 0, 1, 1], [], []>, transpose_lhs_hint = false} : vector<112x112xbf16>, vector<112x128xbf16>, vector<112x128xf32> -> vector<112x128xf32>
    %slice3A_332 = vector.extract_strided_slice %add3A_138 {offsets = [672, 0], sizes = [112, 128], strides = [1, 1]} : vector<896x128xf32> to vector<112x128xf32>
    %slice3A_333 = vector.extract_strided_slice %dot_general3A_149 {offsets = [0, 768], sizes = [112, 128], strides = [1, 1]} : vector<112x1024xf32> to vector<112x128xf32>
    %add3A_334 = arith.addf %slice3A_332, %slice3A_333 : vector<112x128xf32>
    %convert_element_type3A_335 = arith.truncf %add3A_334 : vector<112x128xf32> to vector<112x128xbf16>
    %add3A_336 = arith.addf %slice3A_332, %dot_general3A_331 : vector<112x128xf32>
    %convert_element_type3A_337 = arith.truncf %add3A_336 : vector<112x128xf32> to vector<112x128xbf16>
    %slice3A_338 = vector.extract_strided_slice %get3A_152 {offsets = [7, 0], sizes = [1, 112], strides = [1, 1]} : vector<8x112xf32> to vector<1x112xf32>
    %convert_element_type3A_339 = arith.truncf %slice3A_338 : vector<1x112xf32> to vector<1x112xbf16>
    %slice3A_340 = vector.extract_strided_slice %get3A_124 {offsets = [7, 0, 0], sizes = [1, 112, 112], strides = [1, 1, 1]} : vector<8x112x112xbf16> to vector<1x112x112xbf16>
    %squeeze3A_341 = vector.shape_cast %slice3A_340 : vector<1x112x112xbf16> to vector<112x112xbf16>
    %gt3A_342 = arith.constant 0.000000e+00 : bf16
    %gt3A_343 = vector.broadcast %gt3A_342 : bf16 to vector<112x112xbf16>
    %gt3A_344 = arith.cmpf ogt, %squeeze3A_341, %gt3A_343 : vector<112x112xbf16>
    %slice3A_345 = vector.extract_strided_slice %get3A_128 {offsets = [7, 0, 0], sizes = [1, 112, 112], strides = [1, 1, 1]} : vector<8x112x112xbf16> to vector<1x112x112xbf16>
    %squeeze3A_346 = vector.shape_cast %slice3A_345 : vector<1x112x112xbf16> to vector<112x112xbf16>
    %gt3A_347 = arith.constant 0.000000e+00 : bf16
    %gt3A_348 = vector.broadcast %gt3A_347 : bf16 to vector<112x112xbf16>
    %gt3A_349 = arith.cmpf ogt, %squeeze3A_346, %gt3A_348 : vector<112x112xbf16>
    %or3A_350 = arith.ori %gt3A_344, %gt3A_349 : vector<112x112xi1>
    %broadcast_in_dim3A_351 = vector.shape_cast %convert_element_type3A_339 : vector<1x112xbf16> to vector<1x112xbf16>
    %broadcast_in_dim3A_352 = vector.broadcast %broadcast_in_dim3A_351 : vector<1x112xbf16> to vector<112x112xbf16>
    %jit3A_353 = arith.constant 0.000000e+00 : bf16
    %broadcast_in_dim3A_354 = vector.broadcast %jit3A_353 : bf16 to vector<112x112xbf16>
    %select_n3A_355 = arith.select %or3A_350, %broadcast_in_dim3A_352, %broadcast_in_dim3A_354 : vector<112x112xi1>, vector<112x112xbf16>
    %slice3A_356 = vector.extract_strided_slice %convert_element_type3A_139 {offsets = [784, 0], sizes = [112, 128], strides = [1, 1]} : vector<896x128xbf16> to vector<112x128xbf16>
    %dot_general3A_357 = arith.constant dense<0.000000e+00> : vector<112x128xf32>
    %dot_general3A_358 = tpu.matmul %select_n3A_355, %slice3A_356, %dot_general3A_357 {dimension_numbers = #tpu.dot_dimension_numbers<[1], [0], [0], [1], [0, 0, 1, 1], [], []>, transpose_lhs_hint = false} : vector<112x112xbf16>, vector<112x128xbf16>, vector<112x128xf32> -> vector<112x128xf32>
    %slice3A_359 = vector.extract_strided_slice %add3A_138 {offsets = [784, 0], sizes = [112, 128], strides = [1, 1]} : vector<896x128xf32> to vector<112x128xf32>
    %slice3A_360 = vector.extract_strided_slice %dot_general3A_149 {offsets = [0, 896], sizes = [112, 128], strides = [1, 1]} : vector<112x1024xf32> to vector<112x128xf32>
    %add3A_361 = arith.addf %slice3A_359, %slice3A_360 : vector<112x128xf32>
    %convert_element_type3A_362 = arith.truncf %add3A_361 : vector<112x128xf32> to vector<112x128xbf16>
    %add3A_363 = arith.addf %slice3A_359, %dot_general3A_358 : vector<112x128xf32>
    %convert_element_type3A_364 = arith.truncf %add3A_363 : vector<112x128xf32> to vector<112x128xbf16>
    %concatenate3A_365 = tpu.concatenate %convert_element_type3A_173, %convert_element_type3A_200, %convert_element_type3A_227, %convert_element_type3A_254, %convert_element_type3A_281, %convert_element_type3A_308, %convert_element_type3A_335, %convert_element_type3A_362 in 0 : vector<112x128xbf16>, vector<112x128xbf16>, vector<112x128xbf16>, vector<112x128xbf16>, vector<112x128xbf16>, vector<112x128xbf16>, vector<112x128xbf16>, vector<112x128xbf16> -> vector<896x128xbf16>
    %dot_general3A_366 = arith.constant dense<0.000000e+00> : vector<896x128xf32>
    %dot_general3A_367 = tpu.matmul %concatenate3A_365, %convert_element_type3A_7, %dot_general3A_366 {dimension_numbers = #tpu.dot_dimension_numbers<[1], [0], [0], [1], [0, 0, 1, 1], [], []>, transpose_lhs_hint = false} : vector<896x128xbf16>, vector<128x128xbf16>, vector<896x128xf32> -> vector<896x128xf32>
    %broadcast_in_dim3A_368 = vector.shape_cast %get3A_15 : vector<128xf32> to vector<1x128xf32>
    %add3A_369 = vector.broadcast %broadcast_in_dim3A_368 : vector<1x128xf32> to vector<896x128xf32>
    %add3A_370 = arith.addf %dot_general3A_367, %add3A_369 : vector<896x128xf32>
    %concatenate3A_371 = tpu.concatenate %convert_element_type3A_175, %convert_element_type3A_202, %convert_element_type3A_229, %convert_element_type3A_256, %convert_element_type3A_283, %convert_element_type3A_310, %convert_element_type3A_337, %convert_element_type3A_364 in 0 : vector<112x128xbf16>, vector<112x128xbf16>, vector<112x128xbf16>, vector<112x128xbf16>, vector<112x128xbf16>, vector<112x128xbf16>, vector<112x128xbf16>, vector<112x128xbf16> -> vector<896x128xbf16>
    %dot_general3A_372 = arith.constant dense<0.000000e+00> : vector<896x128xf32>
    %dot_general3A_373 = tpu.matmul %concatenate3A_371, %convert_element_type3A_7, %dot_general3A_372 {dimension_numbers = #tpu.dot_dimension_numbers<[1], [0], [0], [1], [0, 0, 1, 1], [], []>, transpose_lhs_hint = false} : vector<896x128xbf16>, vector<128x128xbf16>, vector<896x128xf32> -> vector<896x128xf32>
    %broadcast_in_dim3A_374 = vector.shape_cast %get3A_15 : vector<128xf32> to vector<1x128xf32>
    %add3A_375 = vector.broadcast %broadcast_in_dim3A_374 : vector<1x128xf32> to vector<896x128xf32>
    %add3A_376 = arith.addf %dot_general3A_373, %add3A_375 : vector<896x128xf32>
    %slice3A_377 = vector.extract_strided_slice %add3A_370 {offsets = [0, 0], sizes = [100, 128], strides = [1, 1]} : vector<896x128xf32> to vector<100x128xf32>
    %slice3A_378 = vector.extract_strided_slice %add3A_376 {offsets = [0, 0], sizes = [100, 128], strides = [1, 1]} : vector<896x128xf32> to vector<100x128xf32>
    %concatenate3A_379 = tpu.concatenate %slice3A_377, %slice3A_378 in 1 : vector<100x128xf32>, vector<100x128xf32> -> vector<100x256xf32>
    %swap3A_380 = arith.constant 0 : index
    %swap3A_381 = arith.constant 0 : index
    %swap3A_382 = arith.constant 0 : index
    %swap3A_383 = vector.load %arg7[%swap3A_380, %swap3A_381, %swap3A_382] : memref<8x100x256xf32, #tpu.memory_space<vmem>>, vector<1x100x256xf32>
    %swap3A_384 = vector.shape_cast %swap3A_383 : vector<1x100x256xf32> to vector<100x256xf32>
    %swap3A_385 = vector.shape_cast %concatenate3A_379 : vector<100x256xf32> to vector<1x100x256xf32>
    tpu.vector_store %arg7[%swap3A_380, %swap3A_381, %swap3A_382], %swap3A_385 {strides = array<i32>} : memref<8x100x256xf32, #tpu.memory_space<vmem>>, vector<1x100x256xf32>,
    %slice3A_386 = vector.extract_strided_slice %add3A_370 {offsets = [112, 0], sizes = [100, 128], strides = [1, 1]} : vector<896x128xf32> to vector<100x128xf32>
    %slice3A_387 = vector.extract_strided_slice %add3A_376 {offsets = [112, 0], sizes = [100, 128], strides = [1, 1]} : vector<896x128xf32> to vector<100x128xf32>
    %concatenate3A_388 = tpu.concatenate %slice3A_386, %slice3A_387 in 1 : vector<100x128xf32>, vector<100x128xf32> -> vector<100x256xf32>
    %swap3A_389 = arith.constant 1 : index
    %swap3A_390 = arith.constant 0 : index
    %swap3A_391 = arith.constant 0 : index
    %swap3A_392 = vector.load %arg7[%swap3A_389, %swap3A_390, %swap3A_391] : memref<8x100x256xf32, #tpu.memory_space<vmem>>, vector<1x100x256xf32>
    %swap3A_393 = vector.shape_cast %swap3A_392 : vector<1x100x256xf32> to vector<100x256xf32>
    %swap3A_394 = vector.shape_cast %concatenate3A_388 : vector<100x256xf32> to vector<1x100x256xf32>
    tpu.vector_store %arg7[%swap3A_389, %swap3A_390, %swap3A_391], %swap3A_394 {strides = array<i32>} : memref<8x100x256xf32, #tpu.memory_space<vmem>>, vector<1x100x256xf32>,
    %slice3A_395 = vector.extract_strided_slice %add3A_370 {offsets = [224, 0], sizes = [100, 128], strides = [1, 1]} : vector<896x128xf32> to vector<100x128xf32>
    %slice3A_396 = vector.extract_strided_slice %add3A_376 {offsets = [224, 0], sizes = [100, 128], strides = [1, 1]} : vector<896x128xf32> to vector<100x128xf32>
    %concatenate3A_397 = tpu.concatenate %slice3A_395, %slice3A_396 in 1 : vector<100x128xf32>, vector<100x128xf32> -> vector<100x256xf32>
    %swap3A_398 = arith.constant 2 : index
    %swap3A_399 = arith.constant 0 : index
    %swap3A_400 = arith.constant 0 : index
    %swap3A_401 = vector.load %arg7[%swap3A_398, %swap3A_399, %swap3A_400] : memref<8x100x256xf32, #tpu.memory_space<vmem>>, vector<1x100x256xf32>
    %swap3A_402 = vector.shape_cast %swap3A_401 : vector<1x100x256xf32> to vector<100x256xf32>
    %swap3A_403 = vector.shape_cast %concatenate3A_397 : vector<100x256xf32> to vector<1x100x256xf32>
    tpu.vector_store %arg7[%swap3A_398, %swap3A_399, %swap3A_400], %swap3A_403 {strides = array<i32>} : memref<8x100x256xf32, #tpu.memory_space<vmem>>, vector<1x100x256xf32>,
    %slice3A_404 = vector.extract_strided_slice %add3A_370 {offsets = [336, 0], sizes = [100, 128], strides = [1, 1]} : vector<896x128xf32> to vector<100x128xf32>
    %slice3A_405 = vector.extract_strided_slice %add3A_376 {offsets = [336, 0], sizes = [100, 128], strides = [1, 1]} : vector<896x128xf32> to vector<100x128xf32>
    %concatenate3A_406 = tpu.concatenate %slice3A_404, %slice3A_405 in 1 : vector<100x128xf32>, vector<100x128xf32> -> vector<100x256xf32>
    %swap3A_407 = arith.constant 3 : index
    %swap3A_408 = arith.constant 0 : index
    %swap3A_409 = arith.constant 0 : index
    %swap3A_410 = vector.load %arg7[%swap3A_407, %swap3A_408, %swap3A_409] : memref<8x100x256xf32, #tpu.memory_space<vmem>>, vector<1x100x256xf32>
    %swap3A_411 = vector.shape_cast %swap3A_410 : vector<1x100x256xf32> to vector<100x256xf32>
    %swap3A_412 = vector.shape_cast %concatenate3A_406 : vector<100x256xf32> to vector<1x100x256xf32>
    tpu.vector_store %arg7[%swap3A_407, %swap3A_408, %swap3A_409], %swap3A_412 {strides = array<i32>} : memref<8x100x256xf32, #tpu.memory_space<vmem>>, vector<1x100x256xf32>,
    %slice3A_413 = vector.extract_strided_slice %add3A_370 {offsets = [448, 0], sizes = [100, 128], strides = [1, 1]} : vector<896x128xf32> to vector<100x128xf32>
    %slice3A_414 = vector.extract_strided_slice %add3A_376 {offsets = [448, 0], sizes = [100, 128], strides = [1, 1]} : vector<896x128xf32> to vector<100x128xf32>
    %concatenate3A_415 = tpu.concatenate %slice3A_413, %slice3A_414 in 1 : vector<100x128xf32>, vector<100x128xf32> -> vector<100x256xf32>
    %swap3A_416 = arith.constant 4 : index
    %swap3A_417 = arith.constant 0 : index
    %swap3A_418 = arith.constant 0 : index
    %swap3A_419 = vector.load %arg7[%swap3A_416, %swap3A_417, %swap3A_418] : memref<8x100x256xf32, #tpu.memory_space<vmem>>, vector<1x100x256xf32>
    %swap3A_420 = vector.shape_cast %swap3A_419 : vector<1x100x256xf32> to vector<100x256xf32>
    %swap3A_421 = vector.shape_cast %concatenate3A_415 : vector<100x256xf32> to vector<1x100x256xf32>
    tpu.vector_store %arg7[%swap3A_416, %swap3A_417, %swap3A_418], %swap3A_421 {strides = array<i32>} : memref<8x100x256xf32, #tpu.memory_space<vmem>>, vector<1x100x256xf32>,
    %slice3A_422 = vector.extract_strided_slice %add3A_370 {offsets = [560, 0], sizes = [100, 128], strides = [1, 1]} : vector<896x128xf32> to vector<100x128xf32>
    %slice3A_423 = vector.extract_strided_slice %add3A_376 {offsets = [560, 0], sizes = [100, 128], strides = [1, 1]} : vector<896x128xf32> to vector<100x128xf32>
    %concatenate3A_424 = tpu.concatenate %slice3A_422, %slice3A_423 in 1 : vector<100x128xf32>, vector<100x128xf32> -> vector<100x256xf32>
    %swap3A_425 = arith.constant 5 : index
    %swap3A_426 = arith.constant 0 : index
    %swap3A_427 = arith.constant 0 : index
    %swap3A_428 = vector.load %arg7[%swap3A_425, %swap3A_426, %swap3A_427] : memref<8x100x256xf32, #tpu.memory_space<vmem>>, vector<1x100x256xf32>
    %swap3A_429 = vector.shape_cast %swap3A_428 : vector<1x100x256xf32> to vector<100x256xf32>
    %swap3A_430 = vector.shape_cast %concatenate3A_424 : vector<100x256xf32> to vector<1x100x256xf32>
    tpu.vector_store %arg7[%swap3A_425, %swap3A_426, %swap3A_427], %swap3A_430 {strides = array<i32>} : memref<8x100x256xf32, #tpu.memory_space<vmem>>, vector<1x100x256xf32>,
    %slice3A_431 = vector.extract_strided_slice %add3A_370 {offsets = [672, 0], sizes = [100, 128], strides = [1, 1]} : vector<896x128xf32> to vector<100x128xf32>
    %slice3A_432 = vector.extract_strided_slice %add3A_376 {offsets = [672, 0], sizes = [100, 128], strides = [1, 1]} : vector<896x128xf32> to vector<100x128xf32>
    %concatenate3A_433 = tpu.concatenate %slice3A_431, %slice3A_432 in 1 : vector<100x128xf32>, vector<100x128xf32> -> vector<100x256xf32>
    %swap3A_434 = arith.constant 6 : index
    %swap3A_435 = arith.constant 0 : index
    %swap3A_436 = arith.constant 0 : index
    %swap3A_437 = vector.load %arg7[%swap3A_434, %swap3A_435, %swap3A_436] : memref<8x100x256xf32, #tpu.memory_space<vmem>>, vector<1x100x256xf32>
    %swap3A_438 = vector.shape_cast %swap3A_437 : vector<1x100x256xf32> to vector<100x256xf32>
    %swap3A_439 = vector.shape_cast %concatenate3A_433 : vector<100x256xf32> to vector<1x100x256xf32>
    tpu.vector_store %arg7[%swap3A_434, %swap3A_435, %swap3A_436], %swap3A_439 {strides = array<i32>} : memref<8x100x256xf32, #tpu.memory_space<vmem>>, vector<1x100x256xf32>,
    %slice3A_440 = vector.extract_strided_slice %add3A_370 {offsets = [784, 0], sizes = [100, 128], strides = [1, 1]} : vector<896x128xf32> to vector<100x128xf32>
    %slice3A_441 = vector.extract_strided_slice %add3A_376 {offsets = [784, 0], sizes = [100, 128], strides = [1, 1]} : vector<896x128xf32> to vector<100x128xf32>
    %concatenate3A_442 = tpu.concatenate %slice3A_440, %slice3A_441 in 1 : vector<100x128xf32>, vector<100x128xf32> -> vector<100x256xf32>
    %swap3A_443 = arith.constant 7 : index
    %swap3A_444 = arith.constant 0 : index
    %swap3A_445 = arith.constant 0 : index
    %swap3A_446 = vector.load %arg7[%swap3A_443, %swap3A_444, %swap3A_445] : memref<8x100x256xf32, #tpu.memory_space<vmem>>, vector<1x100x256xf32>
    %swap3A_447 = vector.shape_cast %swap3A_446 : vector<1x100x256xf32> to vector<100x256xf32>
    %swap3A_448 = vector.shape_cast %concatenate3A_442 : vector<100x256xf32> to vector<1x100x256xf32>
    tpu.vector_store %arg7[%swap3A_443, %swap3A_444, %swap3A_445], %swap3A_448 {strides = array<i32>} : memref<8x100x256xf32, #tpu.memory_space<vmem>>, vector<1x100x256xf32>,
    return
  }
  func.func @transform_0(%arg0: i32) -> (i32, i32, i32) {
    %c0_i32 = arith.constant 0 : i32
    %c0_i32_0 = arith.constant 0 : i32
    %c0_i32_1 = arith.constant 0 : i32
    return %arg0, %c0_i32, %c0_i32_0 : i32, i32, i32
  }
  func.func @transform_1(%arg0: i32) -> (i32, i32) {
    %c0_i32 = arith.constant 0 : i32
    %c0_i32_0 = arith.constant 0 : i32
    %c0_i32_1 = arith.constant 0 : i32
    return %c0_i32, %c0_i32_0 : i32, i32
  }
  func.func @transform_2(%arg0: i32) -> (i32, i32) {
    %c0_i32 = arith.constant 0 : i32
    %c0_i32_0 = arith.constant 0 : i32
    %c0_i32_1 = arith.constant 0 : i32
    return %c0_i32, %c0_i32_0 : i32, i32
  }
  func.func @transform_3(%arg0: i32) -> (i32, i32) {
    %c0_i32 = arith.constant 0 : i32
    %c0_i32_0 = arith.constant 0 : i32
    %c0_i32_1 = arith.constant 0 : i32
    return %c0_i32, %c0_i32_0 : i32, i32
  }
  func.func @transform_4(%arg0: i32) -> (i32, i32) {
    %c0_i32 = arith.constant 0 : i32
    %c0_i32_0 = arith.constant 0 : i32
    %c0_i32_1 = arith.constant 0 : i32
    return %c0_i32, %c0_i32_0 : i32, i32
  }
  func.func @transform_5(%arg0: i32) -> (i32, i32) {
    %c0_i32 = arith.constant 0 : i32
    %c0_i32_0 = arith.constant 0 : i32
    %c0_i32_1 = arith.constant 0 : i32
    return %c0_i32, %c0_i32_0 : i32, i32
  }
  func.func @transform_6(%arg0: i32) -> (i32, i32, i32) {
    %c0_i32 = arith.constant 0 : i32
    %c0_i32_0 = arith.constant 0 : i32
    %c0_i32_1 = arith.constant 0 : i32
    return %arg0, %c0_i32, %c0_i32_0 : i32, i32, i32
  }
}

</mosaic_0001>

<sc_bundles>
// kernel: sparse-core-data-format-call.cloned.1.call-start
scs
called_computation_lowered:
.L_overlay_start_0:
0x0: {  	s2 =	sld [smem:$0x3FD9]  }
0x1: {  	s3 =	sld [smem:$0x3FFE];
	_ =	sdelay $0x1  }
0x2: {  	s1 =	srdreg.scid  }
0x3: {  	s0 =	sand.u32 $0x1, s1  }
0x4: {  	s18 =	sshll.u32 s0, $0xA;
	s2 =	sadd.s32 s3, s2  }
0x5: {  	s2 =	sadd.s32 s2, s18  }
0x6: {  	[smem:$0x3FC2] =	sst s2  }
0x7: {  	_ = 	snop  }
0x8: {  	s2 =	sld [smem:$0x3FD0];
	(tm) =	ssettm $0x1  }
0x9: {  	s19 =	sld [smem:$0x3FFB];
	_ =	sdelay $0x3  }
0xa: {  	_ =	strace s19  }
0xb: {  	s3 =	sld [smem:$0x3FFC];
	_ =	sdelay $0x3  }
0xc: {  	_ =	strace s3  }
0xd: {  	s3 =	sld [smem:$0x3FFD];
	_ =	sdelay $0x3  }
0xe: {  	_ =	strace s3  }
0xf: {  	_ =	strace $0x8FFFFFFF  }
0x10: {  	s20 =	sld [smem:$0x3FDB];
	_ =	sdelay $0x1  }
0x11: {  	s4 =	simm.s32 $_scs_section_size  }
0x12: {  	s5 =	simm.s32 $_size__tile_overlayer_lowered;
	s6 =	simm.s32 $_tile_overlayer_lowered  }
0x13: {  	s23 =	simm.s32 $0x1BFF;
	s22 =	sshll.u32 s6, $0x1;
	s3 =	sadd.s32 s4, s20  }
0x14: {  	s7 =	simm.s32 $0x0;
	s21 =	sshll.u32 s5, $0x1;
	s5 =	sadd.s32 s22, s3  }
0x15: {  	[timem:s7], [sflag:s23] =	dma.local [hbm:s5], s21  }
0x16: {  	_ =	swait.ge [sflag:s23], s21  }
0x17: {  	s4 =	ssub.s32 $0x0, s21;
	[sflag:s23] =	ssyncset.done $0x0  }
0x18: {  	[sflag:s23] =	ssyncadd.s32 s4;
	_ =	sdelay $0x1  }
0x19: {  	s24 =	simm.s32 $0x1B8B  }
0x1a: {  	_ =	swait.ge [sflag:s24], $0x1  }
0x1b: {  	[sflag:s24] =	ssyncset.done $0x0  }
0x1c: {  	s26 =	simm.s32 $0x1B8E;
	s25 =	sld [smem:$0x3FFE];
	[sflag:s24] =	ssyncadd.s32 $0xFFFFFFFF  }
0x1d: {  	s27 =	simm.s32 $execute0_lowered;
	[smem:$0x3FD2] =	sst s26  }
0x1e: {  	s5 =	sshll.u32 s27, $0x1;
	_ =	strace $0x80000046;
	[dreg:$0x1] =	wrdreg $0xFFFFFFFF  }
0x1f: {  	s28 =	simm.s32 $_size_execute0_lowered;
	s3 =	sadd.s32 s3, s5;
	[dreg:$0x0] =	wrdreg $0x0  }
0x20: {  	s5 =	sshll.u32 s28, $0x1;
	[dreg:$0x2] =	wrdreg s3  }
0x21: {  	[dreg:$0x3] =	wrdreg s5  }
0x22: {  	[dreg:$0x4] =	wrdreg $0xC0  }
0x23: {  	_ =	task [dreg:s7], $0x5FFFF  }
0x24: {  	[dreg:$0x1] =	wrdreg $0xFFFFFFFF  }
0x25: {  	[dreg:$0x0] =	wrdreg $0x60  }
0x26: {  	[dreg:$0x2] =	wrdreg s25  }
0x27: {  	[dreg:$0x3] =	wrdreg s2  }
0x28: {  	[dreg:$0x4] =	wrdreg $0x9  }
0x29: {  	_ =	task.clear_ibuf [dreg:s7], $0x5FFFF;
	_ =	strace $0x90000046  }
0x2a: {  	s29 =	simm.s32 $0x9;
	_ =	strace $0x80000048  }
0x2b: {  	_ =	swait.ge [sflag:s29], $0x1  }
0x2c: {  	[sflag:s29] =	ssyncadd.s32 $0xFFFFFFFF  }
0x2d: {  	_ =	strace $0x90000048  }
0x2e: {  	_ =	sfence  }
0x2f: {  	s30 =	sld [smem:$0x0];
	_ =	sdelay $0x2  }
0x30: {  	s31 =	sshll.u32 s1, $0xD;
	s1 =	sshrl.u32 s1, $0x2  }
0x31: {  	s3 =	sand.u32 $0x4000, s31;
	s1 =	sadd.s32 s1, s30  }
0x32: {  	s0 =	sor.u32 s3, s0;
	s1 =	sshll.u32 s1, $0x11  }
0x33: {  	s0 =	sor.u32 s1, s0  }
0x34: {  	s0 =	sadd.s32 $0x8F2B, s0  }
0x35: {  	[sflag:s0] =	ssyncadd.remote.s32 $0x1  }
0x36: {  	_ =	sfence.sel $0xFFFF  }
0x37: {  	[dreg:$0x0] =	wrdreg $0xFFFFFFFF;
	(pc) =	sbr.abs _section_cstart, $3  }
0x38: {  	[dreg:$0x1] =	wrdreg $0xFFFFFFFF  }
0x39: {  	_ =	task.clear_ibuf [dreg:s7], $0x2FFFF;
	_ =	strace $0x9FFFFFFF  }
0x3a: {  	(tm) =	ssettm $0x7FFFFFFF  }
0x3b: {  	_ =	shalt  }
tec
execute0_lowered:
.L_overlay_start_1:
0x0: {  	(tag) =	ssettag $0x1  }
0x1: {  	s0 =	srdreg.scid;
	s3 =	stileid.u32  }
0x2: {  	s1 =	rddreg [dreg:$0x0];
	_ =	strace $0x80000047;
	s4 =	simm.s32 $0x1  }
0x3: {  	s31 =	simm.s32 $0x2;
	s20 =	simm.s32 $0x0;
	s10 =	simm.s32 $0x3000  }
0x4: {  	s11 =	simm.s32 $0x0;
	s19 =	simm.s32 $0x0;
	s0 =	sshll.u32 s0, $0x4  }
0x5: {  	s21 =	simm.s32 $0x0;
	s12 =	simm.s32 $0x0;
	s0 =	sor.u32 s3, s0  }
0x6: {  	s13 =	simm.s32 $0x0;
	s14 =	simm.s32 $0x0;
	s2 =	sand.u32 $0x18, s0  }
.Ltmp0:
0x7: {  	s16 =	simm.s32 $0x0;
	s0 =	ssub.s32 $0x60, s2;
	(pc) =	sbr.rel .LBB1_1-.Ltmp0, $4  }
0x8: {  	s18 =	simm.s32 $0x0;
	s27 =	simm.s32 $0x0;
	s0 =	sshrl.u32 s0, $0x5  }
0x9: {  	[sflag:s4] =	ssyncpa.u1 $0x0;
	s6 =	sand.u32 $0x7, s3;
	s0 =	smul.u32 $0x6, s0  }
0xa: {  	s5 =	sadd.s32 $0xE00, s1;
	[sflag:s31] =	ssyncpa.u1 $0x0;
	s17 =	smov.u32 s6  }
0xb: {  	s15 =	smov.u32 s2;
	s7 =	sadd.s32 $0x6, s0;
	s8 =	sadd.s32 $0x7, s0  }
.LBB1_7:
0xc: {  	p0 =	slt.u32 s18, $0x2;
	s0 =	smov.u32 s21  }
0xd: {  	s3 =	smov.u32 s20;
	s9 =	smov.u32 s19;
	p1 =	sgt.s32 @!p0 s21, $0x7  }
0xe: {  	s1 =	sshra.s32 @!p0 s21, $0x1F;
	p2 =	sgt.s32 @!p0 s19, $0x28;
	p1 =	por !p1, p0  }
0xf: {  	s1 =	sand.u32 @!p0 s1, s21;
	p2 =	por !p2, p0;
	s0 =	simm.s32 @p1 $0x7  }
0x10: {  	p1 =	sgt.s32 @!p0 s20, $0x5C;
	s0 =	ssub.s32 @!p0 s0, s1;
	s1 =	sshra.s32 @!p0 s20, $0x1F  }
0x11: {  	p1 =	por !p1, p0;
	s1 =	sand.u32 @!p0 s1, s20;
	s20 =	sshra.s32 @!p0 s19, $0x1F  }
0x12: {  	s9 =	simm.s32 @p2 $0x28;
	s3 =	simm.s32 @p1 $0x5C;
	s19 =	sand.u32 @!p0 s20, s19  }
0x13: {  	s0 =	sadd.s32 @!p0 $0xFFFFFFF9, s0;
	s1 =	ssub.s32 @!p0 s3, s1;
	s3 =	ssub.s32 @!p0 s9, s19  }
0x14: {  	p1 =	sgt.s32 @!p0 s0, $0x0;
	s0 =	sshll.u32 @!p0 s0, $0x8;
	s19 =	sadd.s32 @!p0 $0xFFFFFFD8, s3  }
0x15: {  	s9 =	sadd.s32 @!p0 $0xFFFFFFA4, s1;
	s0 =	ssub.s32 @!p0 $0x100, s0;
	p2 =	sgt.s32 @!p0 s19, $0x7  }
0x16: {  	p1 =	por !p1, p0;
	s3 =	ssub.s32 @!p0 $0x30, s3;
	p2 =	por !p2, p0  }
0x17: {  	s0 =	simm.s32 @!p1 $0x0;
	s3 =	simm.s32 @!p2 $0x0;
	p2 =	sgt.s32 @!p0 s9, $0x7  }
0x18: {  	s1 =	ssub.s32 @!p0 $0x64, s1;
	p1 =	por !p2, p0;
	s0 =	smul.u32 @!p0 s3, s0  }
0x19: {  	s1 =	simm.s32 @!p1 $0x0  }
0x1a: {  	s0 =	smul.u32 @!p0 s1, s0;
	s1 =	sadd.s32 $0x20, s15  }
0x1b: {  	s9 =	smov.u32 s16;
	s3 =	sadd.s32 $0x8, s16;
	p1 =	sgt.s32 s1, $0x63  }
0x1c: {  	s9 =	smov.u32 @p1 s3  }
0x1d: {  	s23 =	smov.u32 s17;
	s3 =	sadd.s32 $0x8, s17;
	p2 =	sgt.s32 s9, $0x2F  }
0x1e: {  	s11 =	sadd.s32 $0x4000, s11;
	s22 =	simm.s32 @!p0 $0x2;
	s23 =	smov.u32 @p2 s3  }
0x1f: {  	s21 =	smov.u32 s14;
	s1 =	smov.u32 @p1 s2;
	p1 =	sgt.s32 s23, $0x7  }
0x20: {  	s14 =	smov.u32 s17;
	s23 =	smov.u32 @p1 s6;
	p1 =	sne.s32 s18, s8  }
.Ltmp1:
0x21: {  	s20 =	smov.u32 s12;
	s0 =	sand.u32 @!p0 $0x3FFFFF00, s0;
	(pc) =	sbr.rel @!p1 .LBB1_8-.Ltmp1, $4  }
0x22: {  	s12 =	smov.u32 s15;
	s19 =	smov.u32 s13;
	_ =	swait.ge @!p0 [sflag:s22], s0  }
0x23: {  	s13 =	smov.u32 s16;
	s0 =	ssub.s32 @!p0 $0x0, s0;
	[sflag:s22] =	ssyncset.done @!p0 $0x0  }
0x24: {  	s15 =	smov.u32 s1;
	s9 =	simm.s32 @p2 $0x0;
	[sflag:s22] =	ssyncadd.s32 @!p0 s0  }
0x25: {  	s16 =	smov.u32 s9;
	s18 =	sadd.s32 $0x1, s18;
	s17 =	smov.u32 s23  }
.LBB1_1:
0x26: {  	p0 =	sge.u32 s18, s7  }
0x27: {  	s0 =	sshll.u32 @!p0 s15, $0x8;
	s1 =	sshll.u32 @!p0 s15, $0x7  }
0x28: {  	s0 =	sand.u32 @!p0 $0xFFFFF800, s0;
	s1 =	sand.u32 @!p0 $0x300, s1  }
0x29: {  	s0 =	sor.u32 @!p0 s1, s0  }
0x2a: {  	s0 =	sshrl.u32 @!p0 s0, $0x8  }
0x2b: {  	s1 =	smulhi.u32 @!p0 $0x2762763, s0  }
0x2c: {  	s3 =	smul.u32 @!p0 $0x27000, s17  }
0x2d: {  	s1 =	smul.u32 @!p0 $0x68, s1  }
0x2e: {  	s9 =	sxor.u32 @!p0 $0xFFFFFFFF, s18;
	s22 =	smul.u32 @!p0 $0xD00, s16  }
0x2f: {  	s3 =	sadd.s32 @!p0 s5, s3;
	s0 =	ssub.s32 @!p0 s0, s1;
	s1 =	sshll.u32 @!p0 s15, $0x4  }
0x30: {  	s9 =	sshll.u32 @!p0 s9, $0xE;
	s3 =	sadd.s32 @!p0 s22, s3;
	s1 =	sand.u32 @!p0 $0x10, s1  }
0x31: {  	s9 =	sand.u32 @!p0 $0x4000, s9;
	s0 =	sshll.u32 @!p0 s0, $0x5;
	s1 =	sadd.s32 @!p0 s1, s3  }
0x32: {  	s3 =	simm.s32 @!p0 $0x6800;
	s0 =	sadd.s32 @!p0 s0, s1;
	s1 =	simm.s32 @!p0 $0x800  }
0x33: {  	[tilespmem:s9], [sflag:$0x1] =	stream.strided.gather @!p0 [hbm4b:s0+s1], $0x4000, s3, s1, $0x38;
	[tilespmem:$0x10000] =	vst v63  }
0x34: {  	p0 =	seq.s32 s18, $0x0  }
0x35: {  	p1 =	sge.u32 @!p0 s18, s8  }
0x36: {  	p0 =	por p0, p1  }
.Ltmp2:
0x37: {  	_ = 	snop;
	(pc) =	sbr.rel @p0 .LBB1_7-.Ltmp2, $1  }
0x38: {  	_ =	sdelay $0x3  }
0x39: {  	s0 =	sshll.u32 s11, $0x2;
	_ =	swait.ge [sflag:s4], $0x4000;
	s3 =	sshll.u32 s18, $0xE  }
0x3a: {  	p0 =	por $0x0, $0x0;
	s28 =	simm.s32 $0x0;
	s29 =	simm.s32 $0x0  }
0x3b: {  	s0 =	sand.u32 $0x10000, s0;
	[sflag:s4] =	ssyncset.done $0x0;
	s25 =	sand.u32 $0x4000, s3  }
0x3c: {  	s0 =	sshrl.u32 s0, $0x2;
	[sflag:s4] =	ssyncadd.s32 $0xFFFFC000;
	s22 =	sor.u32 $0x8000, s25  }
0x3d: {  	s23 =	sor.u32 $0x40, s0;
	s1 =	sor.u32 $0x8410, s0;
	s26 =	sadd.s32 $0x8400, s0  }
.LBB1_3:
0x3e: {  	v1 =	vld [tilespmem:s23+$0xFFFFFFD0]  }
0x3f: {  	v2 =	vld [tilespmem:s23+$0x430]  }
0x40: {  	s0 =	sshll.u32 s29, $0xB;
	v4 =	vld [tilespmem:s23+$0xFFFFFFE0]  }
0x41: {  	v7 =	vld [tilespmem:s23+$0xFFFFFFF0];
	v0 =	vmov s0  }
0x42: {  	v8 =	vld [tilespmem:s23+$0x0]  }
0x43: {  	s9 =	sand.u32 $0x300, s27;
	v9 =	vld [tilespmem:s23+$0x10]  }
0x44: {  	s3 =	sand.u32 $0x80, s27;
	v10 =	vld [tilespmem:s23+$0x20];
	s0 =	sadd.s32 s9, s25  }
0x45: {  	v11 =	vld [tilespmem:s23+$0x30];
	s0 =	sadd.s32 s3, s0;
	s3 =	simm.s32 $0x1;
	[tilespmem:s1+$0x60] =	vst v2  }
0x46: {  	s24 =	sshll.u32 s28, $0x2;
	s3 =	simm.s32 @!p0 $0x0;
	[tilespmem:s1+$0xFFFFFC00] =	vst v1;
	v3 =	vld.idx.msk [tilespmem:v0+s0+$0x400 ss:$0x1], $0xffff  }
0x47: {  	v6 =	vld [tilespmem:s23+$0x3D0];
	s3 =	sshll.u32 s3, $0x9;
	[tilespmem:s1+$0xFFFFFC10] =	vst v4;
	s0 =	sand.u32 $0xFFFFFC00, s24  }
0x48: {  	v5 =	vld [tilespmem:s23+$0x3E0];
	[tilespmem:s1+$0xFFFFFC20] =	vst v7;
	s0 =	sor.u32 s3, s0  }
0x49: {  	[tilespmem:s1+$0xFFFFFC30] =	vst v8;
	v4 =	vld [tilespmem:s23+$0x400];
	s0 =	sshrl.u32 s0, $0x2  }
0x4a: {  	[tilespmem:s1+$0xFFFFFC40] =	vst v9;
	v1 =	vld [tilespmem:s23+$0x410];
	s30 =	sadd.s32 s0, s26  }
0x4b: {  	[tilespmem:s30+$0x0] =	vst v3;
	v3 =	vld [tilespmem:s23+$0x3F0]  }
0x4c: {  	s31 =	sadd.s32 $0x80, s23;
	[tilespmem:s1+$0xFFFFFC50] =	vst v10;
	v2 =	vld [tilespmem:s23+$0x420];
	s3 =	simm.s32 $0x80  }
0x4d: {  	v7 =	vld [tilespmem:s23+$0xFFFFFFC0];
	[tilespmem:s1+$0xFFFFFC60] =	vst v11;
	s24 =	smov.u32 s1;
	s9 =	sand.u32 $0x300, s3;
	s0 =	simm.s32 $0x100  }
.LBB1_4:
0x4e: {  	p1 =	sne.s32 s0, $0x380;
	v8 =	vld [tilespmem:s31+$0xFFFFFFD0];
	s3 =	sand.u32 $0x80, s3;
	s9 =	sadd.s32 s9, s25;
	[tilespmem:s24+$0x0] =	vst v6  }
0x4f: {  	s9 =	sadd.s32 s3, s9;
	v6 =	vld [tilespmem:s31+$0x430];
	[tilespmem:s24+$0x10] =	vst v5;
	s3 =	smov.u32 s0  }
0x50: {  	v5 =	vld.idx.msk [tilespmem:v0+s9+$0x400 ss:$0x1], $0xffff;
	[tilespmem:s24+$0x20] =	vst v3  }
0x51: {  	v3 =	vld [tilespmem:s31+$0xFFFFFFE0];
	[tilespmem:s24+$0x30] =	vst v4  }
0x52: {  	v4 =	vld [tilespmem:s31+$0xFFFFFFF0];
	[tilespmem:s24+$0xFFFFFBF0] =	vst v7  }
0x53: {  	v7 =	vld [tilespmem:s31+$0x0];
	[tilespmem:s24+$0x40] =	vst v1  }
0x54: {  	v1 =	vld [tilespmem:s31+$0x10];
	[tilespmem:s24+$0x50] =	vst v2;
	s24 =	sadd.s32 $0x800, s24  }
0x55: {  	s30 =	sadd.s32 $0x800, s30;
	v2 =	vld [tilespmem:s31+$0x20];
	[tilespmem:s24+$0x60] =	vst v6  }
0x56: {  	v9 =	vld [tilespmem:s31+$0x30];
	[tilespmem:s30+$0x0] =	vst v5  }
0x57: {  	[tilespmem:s24+$0xFFFFFC00] =	vst v8;
	v6 =	vld [tilespmem:s31+$0x3D0]  }
0x58: {  	[tilespmem:s24+$0xFFFFFC10] =	vst v3;
	v5 =	vld [tilespmem:s31+$0x3E0]  }
.Ltmp3:
0x59: {  	[tilespmem:s24+$0xFFFFFC20] =	vst v4;
	v3 =	vld [tilespmem:s31+$0x3F0];
	(pc) =	sbr.rel @p1 .LBB1_4-.Ltmp3, $4  }
0x5a: {  	[tilespmem:s24+$0xFFFFFC30] =	vst v7;
	v4 =	vld [tilespmem:s31+$0x400]  }
0x5b: {  	[tilespmem:s24+$0xFFFFFC40] =	vst v1;
	v1 =	vld [tilespmem:s31+$0x410]  }
0x5c: {  	[tilespmem:s24+$0xFFFFFC50] =	vst v2;
	v2 =	vld [tilespmem:s31+$0x420]  }
0x5d: {  	s0 =	sadd.s32 $0x80, s0;
	s9 =	sand.u32 $0x300, s3;
	v7 =	vld [tilespmem:s31+$0xFFFFFFC0];
	[tilespmem:s24+$0xFFFFFC60] =	vst v9;
	s31 =	sadd.s32 $0x80, s31  }
0x5e: {  	[tilespmem:s24+$0x0] =	vst v6  }
0x5f: {  	[tilespmem:s24+$0x10] =	vst v5  }
0x60: {  	v49 =	vld [tilespmem:s31+$0x430];
	[tilespmem:s24+$0x20] =	vst v3  }
0x61: {  	v50 =	vld [tilespmem:s31+$0xFFFFFFD0];
	[tilespmem:s24+$0x30] =	vst v4  }
0x62: {  	v51 =	vld [tilespmem:s31+$0xFFFFFFE0];
	[tilespmem:s24+$0x40] =	vst v1  }
0x63: {  	v52 =	vld [tilespmem:s31+$0xFFFFFFF0];
	[tilespmem:s24+$0x50] =	vst v2  }
0x64: {  	v53 =	vld [tilespmem:s31+$0x0];
	[tilespmem:s24+$0xFFFFFBF0] =	vst v7;
	s24 =	sadd.s32 $0x800, s24  }
0x65: {  	v54 =	vld [tilespmem:s31+$0x10];
	[tilespmem:s24+$0x60] =	vst v49  }
0x66: {  	v55 =	vld [tilespmem:s31+$0x20];
	[tilespmem:s24+$0xFFFFFC00] =	vst v50  }
0x67: {  	v56 =	vld [tilespmem:s31+$0x30];
	[tilespmem:s24+$0xFFFFFC10] =	vst v51  }
0x68: {  	v57 =	vld [tilespmem:s31+$0x3D0];
	[tilespmem:s24+$0xFFFFFC20] =	vst v52  }
0x69: {  	v58 =	vld [tilespmem:s31+$0x3E0];
	[tilespmem:s24+$0xFFFFFC30] =	vst v53  }
0x6a: {  	v59 =	vld [tilespmem:s31+$0x3F0];
	[tilespmem:s24+$0xFFFFFC40] =	vst v54  }
0x6b: {  	v60 =	vld [tilespmem:s31+$0x400];
	[tilespmem:s24+$0xFFFFFC50] =	vst v55  }
0x6c: {  	v61 =	vld [tilespmem:s31+$0xFFFFFFC0];
	[tilespmem:s24+$0xFFFFFC60] =	vst v56  }
0x6d: {  	s0 =	sand.u32 $0x80, s3;
	s9 =	sadd.s32 s9, s25;
	v62 =	vld [tilespmem:s31+$0x410];
	[tilespmem:s24+$0x0] =	vst v57  }
0x6e: {  	v63 =	vld [tilespmem:s31+$0x420];
	s29 =	sadd.s32 $0x1, s29;
	s0 =	sadd.s32 s0, s9;
	[tilespmem:s24+$0x10] =	vst v58  }
0x6f: {  	p1 =	sne.s32 s29, $0x8;
	v0 =	vld.idx.msk [tilespmem:v0+s0+$0x400 ss:$0x1], $0xffff;
	[tilespmem:s24+$0x20] =	vst v59  }
.Ltmp4:
0x70: {  	[tilespmem:s24+$0x30] =	vst v60;
	(pc) =	sbr.rel @p1 .LBB1_3-.Ltmp4, $4  }
0x71: {  	[tilespmem:s24+$0xFFFFFBF0] =	vst v61  }
0x72: {  	[tilespmem:s24+$0x40] =	vst v62  }
0x73: {  	s30 =	sadd.s32 $0x800, s30;
	s23 =	sadd.s32 $0x800, s23;
	[tilespmem:s24+$0x50] =	vst v63  }
0x74: {  	s28 =	sadd.s32 $0x80, s28;
	p0 =	por !p0, !p0;
	s1 =	sadd.s32 $0x80, s1;
	[tilespmem:s30+$0x0] =	vst v0  }
0x75: {  	s0 =	sshll.u32 s13, $0x8;
	s1 =	sshll.u32 s13, $0x7  }
0x76: {  	p0 =	sgt.s32 s14, $0x7;
	s9 =	sshra.s32 s14, $0x1F;
	s23 =	smov.u32 s13  }
0x77: {  	s24 =	sshra.s32 s13, $0x1F;
	p1 =	sgt.s32 s12, $0x5C;
	s26 =	smul.u32 $0x25800, s14  }
0x78: {  	s31 =	sshra.s32 s12, $0x1F;
	s28 =	smul.u32 $0x600, s12;
	s0 =	sand.u32 $0xFFFFF800, s0  }
0x79: {  	s1 =	sand.u32 $0x300, s1;
	s9 =	sand.u32 s9, s14;
	s29 =	sand.u32 s24, s13  }
0x7a: {  	s24 =	sand.u32 s31, s12;
	s0 =	sor.u32 s1, s0;
	s1 =	smov.u32 s14  }
0x7b: {  	s0 =	sshrl.u32 s0, $0x8;
	s1 =	simm.s32 @!p0 $0x7;
	p0 =	sgt.s32 s13, $0x28  }
0x7c: {  	s3 =	smulhi.u32 $0x5555556, s0;
	s1 =	ssub.s32 s1, s9;
	s23 =	simm.s32 @!p0 $0x28  }
0x7d: {  	s1 =	sadd.s32 $0xFFFFFFF9, s1;
	s9 =	ssub.s32 s23, s29;
	s23 =	smov.u32 s12  }
0x7e: {  	s29 =	sshll.u32 s13, $0x4;
	s3 =	smul.u32 $0x30, s3;
	p0 =	sgt.s32 s1, $0x0  }
0x7f: {  	s30 =	sadd.s32 $0xFFFFFFD8, s9;
	s23 =	simm.s32 @!p1 $0x5C;
	s1 =	sshll.u32 s1, $0x8  }
0x80: {  	s9 =	ssub.s32 $0x30, s9;
	p1 =	sgt.s32 s30, $0x7;
	s1 =	ssub.s32 $0x100, s1  }
0x81: {  	s23 =	ssub.s32 s23, s24;
	s9 =	simm.s32 @p1 $0x0;
	s1 =	simm.s32 @p0 $0x0  }
0x82: {  	s0 =	ssub.s32 s0, s3;
	s25 =	sadd.s32 $0xFFFFFFA4, s23;
	s3 =	ssub.s32 $0x64, s23  }
0x83: {  	s1 =	smul.u32 s9, s1;
	p0 =	sgt.s32 s25, $0x7;
	s25 =	rddreg [dreg:$0x1]  }
.Ltmp5:
0x84: {  	s3 =	simm.s32 @p0 $0x0;
	s9 =	sadd.s32 s25, s26;
	(pc) =	sbr.rel .LBB1_7-.Ltmp5, $4  }
0x85: {  	s30 =	sand.u32 $0x10, s29;
	s1 =	smul.u32 s3, s1;
	s9 =	sadd.s32 s28, s9  }
0x86: {  	s0 =	sshll.u32 s0, $0x5;
	s3 =	sadd.s32 s30, s9  }
0x87: {  	s31 =	simm.s32 $0x800;
	s1 =	sand.u32 $0x3FFFFF00, s1;
	s0 =	sadd.s32 s0, s3  }
0x88: {  	[hbm4b:s0+s31] =	stream.strided.scatter [tilespmem:s22], [sflag:$0x2], s1, s10, s31, $0x38;
	[tilespmem:$0x10000] =	vst v63  }
.LBB1_8:
0x89: {  	_ =	sfence.sel $0x180000  }
0x8a: {  	s0 =	simm.s32 $0x1;
	[bflag:$0x0] =	sbarrier.arrive $0xFFFF  }
0x8b: {  	s30 =	simm.s32 $0x2;
	[sflag:s0] =	ssyncpa.u1 $0x1  }
0x8c: {  	[sflag:s30] =	ssyncpa.u1 $0x1  }
0x8d: {  	_ =	strace $0x90000047  }
0x8e: {  	s31 =	stileid.u32;
	[bflag:$0x2] =	sbarrier.arrive $0xFFFF  }
0x8f: {  	p0 =	sne.s32 s31, $0x0;
	s0 =	rddreg [dreg:$0x2]  }
0x90: {  	s0 =	sadd.s32 @!p0 $0x100000, s0  }
0x91: {  	[sflag:s0] =	ssyncadd.tile.s32 @!p0 $0x1;
	_ =	shalt  }
.Lfunc_end1:
_tile_overlayer_lowered:
.L_overlay_start_2:
0x92: {  	(tag) =	ssettag $0x2  }
0x93: {  	s0 =	rddreg [dreg:$0x0];
	s2 =	stileid.u32  }
0x94: {  	s1 =	rddreg [dreg:$0x1];
	p0 =	sne.s32 s2, $0x0  }
0x95: {  	s3 =	rddreg [dreg:$0x2];
	[bflag:$0x3] =	sbarrier.arrive $0xFFFF;
	s2 =	simm.s32 @!p0 $0x1C01  }
0x96: {  	[timem:s3], [sflag:s2] =	dma.local @!p0 [hbm:s0], s1  }
0x97: {  	s0 =	simm.s32 @!p0 $0x1  }
0x98: {  	_ =	swait.ge @!p0 [sflag:s0], s1  }
0x99: {  	s1 =	ssub.s32 @!p0 $0x0, s1;
	[sflag:s0] =	ssyncset.done @!p0 $0x0  }
0x9a: {  	[sflag:s0] =	ssyncadd.s32 @!p0 s1  }
0x9b: {  	[bflag:$0x3] =	sbarrier.arrive $0xFFFF  }
0x9c: {  	_ =	shalt  }

</sc_bundles>
